<compile_context>
chip_gen: v7x
topology: tpu7x:2x2x1
jax: 0.10.2.dev20260603
libtpu: 0.0.44.dev20260713+nightly
codegen_flags: <defaults>
</compile_context>

<pallas_src>
import functools

import jax
import jax.numpy as jnp
from jax import lax
from jax.experimental import pallas as pl
from jax.experimental.pallas import tpu as pltpu
from jax.experimental.pallas import tpu_sc as plsc

EMBED = 64
SCALE = 8.0

_info = plsc.get_sparse_core_info()
_NC, _NS, _L = _info.num_cores, _info.num_subcores, _info.num_lanes
_NW = _NC * _NS


@functools.partial(jax.jit, static_argnames=("b_per_w", "chunk"))
def _lookup(x_flat, table, b_per_w, chunk):
    n_chunks = b_per_w // chunk
    mesh = plsc.VectorSubcoreMesh(core_axis_name="c", subcore_axis_name="s")

    @functools.partial(
        pl.kernel,
        out_type=jax.ShapeDtypeStruct((x_flat.shape[0], EMBED), jnp.float32),
        mesh=mesh,
        scratch_types=[
            pltpu.VMEM((chunk,), jnp.int32),
            pltpu.VMEM((chunk,), jnp.int32),
            pltpu.VMEM((chunk, EMBED), jnp.float32),
            pltpu.VMEM((chunk, EMBED), jnp.float32),
            pltpu.SemaphoreType.DMA,
            pltpu.SemaphoreType.DMA,
        ],
        compiler_params=pltpu.CompilerParams(use_tc_tiling_on_sc=False),
    )
    def k(x_hbm, table_hbm, out_hbm, idx0, idx1, rows0, rows1, sem0, sem1):
        wid = lax.axis_index("s") * _NC + lax.axis_index("c")
        base = wid * b_per_w
        idx_v = (idx0, idx1)
        rows_v = (rows0, rows1)
        sems = (sem0, sem1)

        def start_gather(g, b):
            off = base + g * chunk
            pltpu.sync_copy(x_hbm.at[pl.ds(off, chunk)], idx_v[b])
            return pltpu.async_copy(table_hbm.at[idx_v[b]], rows_v[b], sems[b])

        def scale_and_store(g, b):
            rv = rows_v[b]

            def scale_rows(r2, c2):
                for u in range(4):
                    for c in range(EMBED // _L):
                        sl = pl.ds(c * _L, _L)
                        rv[4 * r2 + u, sl] = rv[4 * r2 + u, sl] * SCALE
                return c2

            lax.fori_loop(0, chunk // 4, scale_rows, 0)
            pltpu.sync_copy(rv, out_hbm.at[pl.ds(base + g * chunk, chunk)])

        start_gather(0, 0)

        def pair_body(t, carry):
            for b in range(2):
                g = 2 * t + b
                pltpu.make_async_copy(
                    table_hbm.at[idx_v[b]], rows_v[b], sems[b]
                ).wait()

                @pl.when(g + 1 < n_chunks)
                def _prefetch():
                    start_gather(g + 1, 1 - b)

                scale_and_store(g, b)
            return carry

        lax.fori_loop(0, n_chunks // 2, pair_body, 0)

    return k(x_flat, table)


def kernel(x, embedding_table):
    orig_shape = x.shape
    x_flat = x.reshape(-1).astype(jnp.int32)
    b = x_flat.shape[0]
    b_per_w = b // _NW
    chunk = 800
    assert b_per_w % (2 * chunk) == 0
    out = _lookup(x_flat, embedding_table, b_per_w, chunk)
    return out.reshape(*orig_shape, EMBED)

# --- scband reference (transcript-rebuilt; emitter-appended) ---
"""Pipeline reference for scband-embedder-1477468750128 (READ-ONLY COPY).

The authoritative reference and input builder live on the scoring server;
editing this copy changes nothing except your own understanding.
"""

import jax, jax.numpy as jnp
import numpy as np

VOCAB = 1000000
EMBED = 64

def setup_inputs(seed: int = 0) -> dict:
    key = jax.random.key(seed)
    k1, k2 = jax.random.split(key)
    x = jax.random.randint(k1, (4096, 200), 0, VOCAB, dtype=jnp.int64 if jax.config.jax_enable_x64 else jnp.int32)
    embedding_table = jax.random.normal(k2, (VOCAB, EMBED), dtype=jnp.float32) * 0.02
    return {"x": x, "embedding_table": embedding_table}

def reference(x, embedding_table):
    # encode: gather + scale by sqrt(embed_dim)
    out = jnp.take(embedding_table, x, axis=0)
    out = out * jnp.sqrt(jnp.float32(EMBED)).astype(out.dtype)
    return out

if __name__ == "__main__":
    import jax
    _d = setup_inputs()
    print(jax.jit(kernel)(*tuple(_d.values())))

</pallas_src>

<mosaic_0001>
#map = affine_map<(d0, d1) -> (0)>
#map1 = affine_map<(d0, d1) -> (0, 0)>
module attributes {stable_mosaic.version = 14 : i64} {
  func.func @k(%arg0: i32, %arg1: i32, %arg2: memref<819200xi32, #tpu.memory_space<hbm>>, %arg3: memref<1000000x64xf32, #tpu.memory_space<hbm>>, %arg4: memref<819200x64xf32, #tpu.memory_space<hbm>>, %arg5: memref<800xi32, #tpu.memory_space<vmem>>, %arg6: memref<800xi32, #tpu.memory_space<vmem>>, %arg7: memref<800x64xf32, #tpu.memory_space<vmem>>, %arg8: memref<800x64xf32, #tpu.memory_space<vmem>>, %arg9: memref<!tpu.dma_semaphore, #tpu.memory_space<semaphore_mem>>, %arg10: memref<!tpu.dma_semaphore, #tpu.memory_space<semaphore_mem>>) attributes {dimension_semantics = [#tpu.dimension_semantics<core_parallel>, #tpu.dimension_semantics<subcore_parallel>], iteration_bounds = array<i64: 2, 16>, scalar_prefetch = 0 : i64, scratch_operands = 6 : i64, tpu.core_type = #tpu.core_type<sc_vector_subcore>, window_params = [{transform_indices = #map}, {transform_indices = #map1}, {transform_indices = #map1}]} {
    %mul3A = arith.constant 2 : i32
    %mul3A_0 = arith.muli %arg1, %mul3A : i32
    %add3A = arith.addi %mul3A_0, %arg0 : i32
    %mul3A_1 = arith.constant 25600 : i32
    %mul3A_2 = arith.muli %add3A, %mul3A_1 : i32
    %add3A_3 = arith.constant 0 : i32
    %add3A_4 = arith.addi %mul3A_2, %add3A_3 : i32
    "tpu.region"() ({
      %run_scoped3A = tpu.sem_alloc : memref<!tpu.dma_semaphore, #tpu.memory_space<semaphore_mem>>
      %dma_start3A_12 = tpu.memref_slice %arg2[%add3A_4] : memref<819200xi32, #tpu.memory_space<hbm>> -> memref<800xi32, #tpu.memory_space<hbm>>
      %dma_start3A_13 = tpu.memref_slice %arg2[%add3A_4] : memref<819200xi32, #tpu.memory_space<hbm>> -> memref<800xi32, #tpu.memory_space<hbm>>
      tpu.enqueue_dma source(%dma_start3A_13 : memref<800xi32, #tpu.memory_space<hbm>>) target(%arg5 : memref<800xi32, #tpu.memory_space<vmem>>) target_semaphore(%run_scoped3A : memref<!tpu.dma_semaphore, #tpu.memory_space<semaphore_mem>>)
      %dma_wait3A = tpu.memref_slice %arg2[%add3A_4] : memref<819200xi32, #tpu.memory_space<hbm>> -> memref<800xi32, #tpu.memory_space<hbm>>
      %dma_wait3A_14 = tpu.memref_slice %arg2[%add3A_4] : memref<819200xi32, #tpu.memory_space<hbm>> -> memref<800xi32, #tpu.memory_space<hbm>>
      tpu.wait_dma2 semaphore(%run_scoped3A : memref<!tpu.dma_semaphore, #tpu.memory_space<semaphore_mem>>) src(%dma_wait3A_14 : memref<800xi32, #tpu.memory_space<hbm>>) dst(%arg5 : memref<800xi32, #tpu.memory_space<vmem>>)
      tpu.yield
    }) : () -> ()
    %dma_start3A = arith.constant 0 : i32
    %dma_start3A_5 = arith.constant 0 : i32
    %dma_start3A_6 = tpu.memref_slice %arg3[%dma_start3A, %dma_start3A_5] : memref<1000000x64xf32, #tpu.memory_space<hbm>> -> memref<1000000x64xf32, #tpu.memory_space<hbm>>
    tpu.enqueue_indirect_dma source(%dma_start3A_6 : memref<1000000x64xf32, #tpu.memory_space<hbm>>) target(%arg7 : memref<800x64xf32, #tpu.memory_space<vmem>>) offsets(%arg5 : memref<800xi32, #tpu.memory_space<vmem>>) semaphore(%arg9 : memref<!tpu.dma_semaphore, #tpu.memory_space<semaphore_mem>>)
    %scan3A = arith.constant 0 : i32
    %scan3A_7 = arith.constant 0 : i32
    %scan3A_8 = arith.constant 16 : i32
    %scan3A_9 = arith.addi %scan3A_7, %scan3A_8 : i32
    %scan3A_10 = arith.constant 1 : i32
    scf.for %scan3A_12 = %scan3A_7 to %scan3A_9 step %scan3A_10  : i32 {
      %mul3A_13 = arith.constant 2 : i32
      %mul3A_14 = arith.muli %mul3A_13, %scan3A_12 : i32
      %add3A_15 = arith.constant 0 : i32
      %add3A_16 = arith.addi %mul3A_14, %add3A_15 : i32
      %dma_wait3A = arith.constant 0 : i32
      %dma_wait3A_17 = arith.constant 0 : i32
      %dma_wait3A_18 = tpu.memref_slice %arg3[%dma_wait3A, %dma_wait3A_17] : memref<1000000x64xf32, #tpu.memory_space<hbm>> -> memref<1000000x64xf32, #tpu.memory_space<hbm>>
      tpu.wait_indirect_dma semaphore(%arg9 : memref<!tpu.dma_semaphore, #tpu.memory_space<semaphore_mem>>) src(%dma_wait3A_18 : memref<1000000x64xf32, #tpu.memory_space<hbm>>) dst(%arg7 : memref<800x64xf32, #tpu.memory_space<vmem>>)
      %add3A_19 = arith.constant 1 : i32
      %add3A_20 = arith.addi %add3A_16, %add3A_19 : i32
      %lt3A = arith.constant 32 : i32
      %lt3A_21 = arith.cmpi slt, %add3A_20, %lt3A : i32
      %convert_element_type3A = arith.extui %lt3A_21 : i1 to i32
      %cond3A = arith.constant 0 : i32
      %cond3A_22 = arith.cmpi ne, %convert_element_type3A, %cond3A : i32
      scf.if %cond3A_22 {
        %add3A_55 = arith.constant 1 : i32
        %add3A_56 = arith.addi %add3A_16, %add3A_55 : i32
        %mul3A_57 = arith.constant 800 : i32
        %mul3A_58 = arith.muli %add3A_56, %mul3A_57 : i32
        %add3A_59 = arith.addi %mul3A_2, %mul3A_58 : i32
        "tpu.region"() ({
          %run_scoped3A = tpu.sem_alloc : memref<!tpu.dma_semaphore, #tpu.memory_space<semaphore_mem>>
          %dma_start3A_63 = tpu.memref_slice %arg2[%add3A_59] : memref<819200xi32, #tpu.memory_space<hbm>> -> memref<800xi32, #tpu.memory_space<hbm>>
          %dma_start3A_64 = tpu.memref_slice %arg2[%add3A_59] : memref<819200xi32, #tpu.memory_space<hbm>> -> memref<800xi32, #tpu.memory_space<hbm>>
          tpu.enqueue_dma source(%dma_start3A_64 : memref<800xi32, #tpu.memory_space<hbm>>) target(%arg6 : memref<800xi32, #tpu.memory_space<vmem>>) target_semaphore(%run_scoped3A : memref<!tpu.dma_semaphore, #tpu.memory_space<semaphore_mem>>)
          %dma_wait3A_65 = tpu.memref_slice %arg2[%add3A_59] : memref<819200xi32, #tpu.memory_space<hbm>> -> memref<800xi32, #tpu.memory_space<hbm>>
          %dma_wait3A_66 = tpu.memref_slice %arg2[%add3A_59] : memref<819200xi32, #tpu.memory_space<hbm>> -> memref<800xi32, #tpu.memory_space<hbm>>
          tpu.wait_dma2 semaphore(%run_scoped3A : memref<!tpu.dma_semaphore, #tpu.memory_space<semaphore_mem>>) src(%dma_wait3A_66 : memref<800xi32, #tpu.memory_space<hbm>>) dst(%arg6 : memref<800xi32, #tpu.memory_space<vmem>>)
          tpu.yield
        }) : () -> ()
        %dma_start3A_60 = arith.constant 0 : i32
        %dma_start3A_61 = arith.constant 0 : i32
        %dma_start3A_62 = tpu.memref_slice %arg3[%dma_start3A_60, %dma_start3A_61] : memref<1000000x64xf32, #tpu.memory_space<hbm>> -> memref<1000000x64xf32, #tpu.memory_space<hbm>>
        tpu.enqueue_indirect_dma source(%dma_start3A_62 : memref<1000000x64xf32, #tpu.memory_space<hbm>>) target(%arg8 : memref<800x64xf32, #tpu.memory_space<vmem>>) offsets(%arg6 : memref<800xi32, #tpu.memory_space<vmem>>) semaphore(%arg10 : memref<!tpu.dma_semaphore, #tpu.memory_space<semaphore_mem>>)
      } else {
      }
      %scan3A_23 = arith.constant 0 : i32
      %scan3A_24 = arith.constant 0 : i32
      %scan3A_25 = arith.constant 200 : i32
      %scan3A_26 = arith.addi %scan3A_24, %scan3A_25 : i32
      %scan3A_27 = arith.constant 1 : i32
      scf.for %scan3A_55 = %scan3A_24 to %scan3A_26 step %scan3A_27  : i32 {
        %mul3A_56 = arith.constant 4 : i32
        %mul3A_57 = arith.muli %mul3A_56, %scan3A_55 : i32
        %add3A_58 = arith.constant 0 : i32
        %add3A_59 = arith.addi %mul3A_57, %add3A_58 : i32
        %get3A = arith.index_cast %add3A_59 : i32 to index
        %get3A_60 = arith.constant 0 : index
        %get3A_61 = tpu.vector_load %arg7[%get3A, %get3A_60] {strides = array<i32>} : memref<800x64xf32, #tpu.memory_space<vmem>>, vector<1x16xf32>,
        %get3A_62 = vector.shape_cast %get3A_61 : vector<1x16xf32> to vector<16xf32>
        %mul3A_63 = arith.constant 8.000000e+00 : f32
        %mul3A_64 = vector.broadcast %mul3A_63 : f32 to vector<16xf32>
        %mul3A_65 = arith.mulf %get3A_62, %mul3A_64 : vector<16xf32>
        %mul3A_66 = arith.constant 4 : i32
        %mul3A_67 = arith.muli %mul3A_66, %scan3A_55 : i32
        %add3A_68 = arith.constant 0 : i32
        %add3A_69 = arith.addi %mul3A_67, %add3A_68 : i32
        %swap3A = arith.index_cast %add3A_69 : i32 to index
        %swap3A_70 = arith.constant 0 : index
        %swap3A_71 = tpu.vector_load %arg7[%swap3A, %swap3A_70] {strides = array<i32>} : memref<800x64xf32, #tpu.memory_space<vmem>>, vector<1x16xf32>,
        %swap3A_72 = vector.shape_cast %swap3A_71 : vector<1x16xf32> to vector<16xf32>
        %swap3A_73 = vector.shape_cast %mul3A_65 : vector<16xf32> to vector<1x16xf32>
        tpu.vector_store %arg7[%swap3A, %swap3A_70], %swap3A_73 {strides = array<i32>} : memref<800x64xf32, #tpu.memory_space<vmem>>, vector<1x16xf32>,
        %mul3A_74 = arith.constant 4 : i32
        %mul3A_75 = arith.muli %mul3A_74, %scan3A_55 : i32
        %add3A_76 = arith.constant 0 : i32
        %add3A_77 = arith.addi %mul3A_75, %add3A_76 : i32
        %get3A_78 = arith.index_cast %add3A_77 : i32 to index
        %get3A_79 = arith.constant 16 : index
        %get3A_80 = tpu.vector_load %arg7[%get3A_78, %get3A_79] {strides = array<i32>} : memref<800x64xf32, #tpu.memory_space<vmem>>, vector<1x16xf32>,
        %get3A_81 = vector.shape_cast %get3A_80 : vector<1x16xf32> to vector<16xf32>
        %mul3A_82 = arith.constant 8.000000e+00 : f32
        %mul3A_83 = vector.broadcast %mul3A_82 : f32 to vector<16xf32>
        %mul3A_84 = arith.mulf %get3A_81, %mul3A_83 : vector<16xf32>
        %mul3A_85 = arith.constant 4 : i32
        %mul3A_86 = arith.muli %mul3A_85, %scan3A_55 : i32
        %add3A_87 = arith.constant 0 : i32
        %add3A_88 = arith.addi %mul3A_86, %add3A_87 : i32
        %swap3A_89 = arith.index_cast %add3A_88 : i32 to index
        %swap3A_90 = arith.constant 16 : index
        %swap3A_91 = tpu.vector_load %arg7[%swap3A_89, %swap3A_90] {strides = array<i32>} : memref<800x64xf32, #tpu.memory_space<vmem>>, vector<1x16xf32>,
        %swap3A_92 = vector.shape_cast %swap3A_91 : vector<1x16xf32> to vector<16xf32>
        %swap3A_93 = vector.shape_cast %mul3A_84 : vector<16xf32> to vector<1x16xf32>
        tpu.vector_store %arg7[%swap3A_89, %swap3A_90], %swap3A_93 {strides = array<i32>} : memref<800x64xf32, #tpu.memory_space<vmem>>, vector<1x16xf32>,
        %mul3A_94 = arith.constant 4 : i32
        %mul3A_95 = arith.muli %mul3A_94, %scan3A_55 : i32
        %add3A_96 = arith.constant 0 : i32
        %add3A_97 = arith.addi %mul3A_95, %add3A_96 : i32
        %get3A_98 = arith.index_cast %add3A_97 : i32 to index
        %get3A_99 = arith.constant 32 : index
        %get3A_100 = tpu.vector_load %arg7[%get3A_98, %get3A_99] {strides = array<i32>} : memref<800x64xf32, #tpu.memory_space<vmem>>, vector<1x16xf32>,
        %get3A_101 = vector.shape_cast %get3A_100 : vector<1x16xf32> to vector<16xf32>
        %mul3A_102 = arith.constant 8.000000e+00 : f32
        %mul3A_103 = vector.broadcast %mul3A_102 : f32 to vector<16xf32>
        %mul3A_104 = arith.mulf %get3A_101, %mul3A_103 : vector<16xf32>
        %mul3A_105 = arith.constant 4 : i32
        %mul3A_106 = arith.muli %mul3A_105, %scan3A_55 : i32
        %add3A_107 = arith.constant 0 : i32
        %add3A_108 = arith.addi %mul3A_106, %add3A_107 : i32
        %swap3A_109 = arith.index_cast %add3A_108 : i32 to index
        %swap3A_110 = arith.constant 32 : index
        %swap3A_111 = tpu.vector_load %arg7[%swap3A_109, %swap3A_110] {strides = array<i32>} : memref<800x64xf32, #tpu.memory_space<vmem>>, vector<1x16xf32>,
        %swap3A_112 = vector.shape_cast %swap3A_111 : vector<1x16xf32> to vector<16xf32>
        %swap3A_113 = vector.shape_cast %mul3A_104 : vector<16xf32> to vector<1x16xf32>
        tpu.vector_store %arg7[%swap3A_109, %swap3A_110], %swap3A_113 {strides = array<i32>} : memref<800x64xf32, #tpu.memory_space<vmem>>, vector<1x16xf32>,
        %mul3A_114 = arith.constant 4 : i32
        %mul3A_115 = arith.muli %mul3A_114, %scan3A_55 : i32
        %add3A_116 = arith.constant 0 : i32
        %add3A_117 = arith.addi %mul3A_115, %add3A_116 : i32
        %get3A_118 = arith.index_cast %add3A_117 : i32 to index
        %get3A_119 = arith.constant 48 : index
        %get3A_120 = tpu.vector_load %arg7[%get3A_118, %get3A_119] {strides = array<i32>} : memref<800x64xf32, #tpu.memory_space<vmem>>, vector<1x16xf32>,
        %get3A_121 = vector.shape_cast %get3A_120 : vector<1x16xf32> to vector<16xf32>
        %mul3A_122 = arith.constant 8.000000e+00 : f32
        %mul3A_123 = vector.broadcast %mul3A_122 : f32 to vector<16xf32>
        %mul3A_124 = arith.mulf %get3A_121, %mul3A_123 : vector<16xf32>
        %mul3A_125 = arith.constant 4 : i32
        %mul3A_126 = arith.muli %mul3A_125, %scan3A_55 : i32
        %add3A_127 = arith.constant 0 : i32
        %add3A_128 = arith.addi %mul3A_126, %add3A_127 : i32
        %swap3A_129 = arith.index_cast %add3A_128 : i32 to index
        %swap3A_130 = arith.constant 48 : index
        %swap3A_131 = tpu.vector_load %arg7[%swap3A_129, %swap3A_130] {strides = array<i32>} : memref<800x64xf32, #tpu.memory_space<vmem>>, vector<1x16xf32>,
        %swap3A_132 = vector.shape_cast %swap3A_131 : vector<1x16xf32> to vector<16xf32>
        %swap3A_133 = vector.shape_cast %mul3A_124 : vector<16xf32> to vector<1x16xf32>
        tpu.vector_store %arg7[%swap3A_129, %swap3A_130], %swap3A_133 {strides = array<i32>} : memref<800x64xf32, #tpu.memory_space<vmem>>, vector<1x16xf32>,
        %mul3A_134 = arith.constant 4 : i32
        %mul3A_135 = arith.muli %mul3A_134, %scan3A_55 : i32
        %add3A_136 = arith.constant 1 : i32
        %add3A_137 = arith.addi %mul3A_135, %add3A_136 : i32
        %get3A_138 = arith.index_cast %add3A_137 : i32 to index
        %get3A_139 = arith.constant 0 : index
        %get3A_140 = tpu.vector_load %arg7[%get3A_138, %get3A_139] {strides = array<i32>} : memref<800x64xf32, #tpu.memory_space<vmem>>, vector<1x16xf32>,
        %get3A_141 = vector.shape_cast %get3A_140 : vector<1x16xf32> to vector<16xf32>
        %mul3A_142 = arith.constant 8.000000e+00 : f32
        %mul3A_143 = vector.broadcast %mul3A_142 : f32 to vector<16xf32>
        %mul3A_144 = arith.mulf %get3A_141, %mul3A_143 : vector<16xf32>
        %mul3A_145 = arith.constant 4 : i32
        %mul3A_146 = arith.muli %mul3A_145, %scan3A_55 : i32
        %add3A_147 = arith.constant 1 : i32
        %add3A_148 = arith.addi %mul3A_146, %add3A_147 : i32
        %swap3A_149 = arith.index_cast %add3A_148 : i32 to index
        %swap3A_150 = arith.constant 0 : index
        %swap3A_151 = tpu.vector_load %arg7[%swap3A_149, %swap3A_150] {strides = array<i32>} : memref<800x64xf32, #tpu.memory_space<vmem>>, vector<1x16xf32>,
        %swap3A_152 = vector.shape_cast %swap3A_151 : vector<1x16xf32> to vector<16xf32>
        %swap3A_153 = vector.shape_cast %mul3A_144 : vector<16xf32> to vector<1x16xf32>
        tpu.vector_store %arg7[%swap3A_149, %swap3A_150], %swap3A_153 {strides = array<i32>} : memref<800x64xf32, #tpu.memory_space<vmem>>, vector<1x16xf32>,
        %mul3A_154 = arith.constant 4 : i32
        %mul3A_155 = arith.muli %mul3A_154, %scan3A_55 : i32
        %add3A_156 = arith.constant 1 : i32
        %add3A_157 = arith.addi %mul3A_155, %add3A_156 : i32
        %get3A_158 = arith.index_cast %add3A_157 : i32 to index
        %get3A_159 = arith.constant 16 : index
        %get3A_160 = tpu.vector_load %arg7[%get3A_158, %get3A_159] {strides = array<i32>} : memref<800x64xf32, #tpu.memory_space<vmem>>, vector<1x16xf32>,
        %get3A_161 = vector.shape_cast %get3A_160 : vector<1x16xf32> to vector<16xf32>
        %mul3A_162 = arith.constant 8.000000e+00 : f32
        %mul3A_163 = vector.broadcast %mul3A_162 : f32 to vector<16xf32>
        %mul3A_164 = arith.mulf %get3A_161, %mul3A_163 : vector<16xf32>
        %mul3A_165 = arith.constant 4 : i32
        %mul3A_166 = arith.muli %mul3A_165, %scan3A_55 : i32
        %add3A_167 = arith.constant 1 : i32
        %add3A_168 = arith.addi %mul3A_166, %add3A_167 : i32
        %swap3A_169 = arith.index_cast %add3A_168 : i32 to index
        %swap3A_170 = arith.constant 16 : index
        %swap3A_171 = tpu.vector_load %arg7[%swap3A_169, %swap3A_170] {strides = array<i32>} : memref<800x64xf32, #tpu.memory_space<vmem>>, vector<1x16xf32>,
        %swap3A_172 = vector.shape_cast %swap3A_171 : vector<1x16xf32> to vector<16xf32>
        %swap3A_173 = vector.shape_cast %mul3A_164 : vector<16xf32> to vector<1x16xf32>
        tpu.vector_store %arg7[%swap3A_169, %swap3A_170], %swap3A_173 {strides = array<i32>} : memref<800x64xf32, #tpu.memory_space<vmem>>, vector<1x16xf32>,
        %mul3A_174 = arith.constant 4 : i32
        %mul3A_175 = arith.muli %mul3A_174, %scan3A_55 : i32
        %add3A_176 = arith.constant 1 : i32
        %add3A_177 = arith.addi %mul3A_175, %add3A_176 : i32
        %get3A_178 = arith.index_cast %add3A_177 : i32 to index
        %get3A_179 = arith.constant 32 : index
        %get3A_180 = tpu.vector_load %arg7[%get3A_178, %get3A_179] {strides = array<i32>} : memref<800x64xf32, #tpu.memory_space<vmem>>, vector<1x16xf32>,
        %get3A_181 = vector.shape_cast %get3A_180 : vector<1x16xf32> to vector<16xf32>
        %mul3A_182 = arith.constant 8.000000e+00 : f32
        %mul3A_183 = vector.broadcast %mul3A_182 : f32 to vector<16xf32>
        %mul3A_184 = arith.mulf %get3A_181, %mul3A_183 : vector<16xf32>
        %mul3A_185 = arith.constant 4 : i32
        %mul3A_186 = arith.muli %mul3A_185, %scan3A_55 : i32
        %add3A_187 = arith.constant 1 : i32
        %add3A_188 = arith.addi %mul3A_186, %add3A_187 : i32
        %swap3A_189 = arith.index_cast %add3A_188 : i32 to index
        %swap3A_190 = arith.constant 32 : index
        %swap3A_191 = tpu.vector_load %arg7[%swap3A_189, %swap3A_190] {strides = array<i32>} : memref<800x64xf32, #tpu.memory_space<vmem>>, vector<1x16xf32>,
        %swap3A_192 = vector.shape_cast %swap3A_191 : vector<1x16xf32> to vector<16xf32>
        %swap3A_193 = vector.shape_cast %mul3A_184 : vector<16xf32> to vector<1x16xf32>
        tpu.vector_store %arg7[%swap3A_189, %swap3A_190], %swap3A_193 {strides = array<i32>} : memref<800x64xf32, #tpu.memory_space<vmem>>, vector<1x16xf32>,
        %mul3A_194 = arith.constant 4 : i32
        %mul3A_195 = arith.muli %mul3A_194, %scan3A_55 : i32
        %add3A_196 = arith.constant 1 : i32
        %add3A_197 = arith.addi %mul3A_195, %add3A_196 : i32
        %get3A_198 = arith.index_cast %add3A_197 : i32 to index
        %get3A_199 = arith.constant 48 : index
        %get3A_200 = tpu.vector_load %arg7[%get3A_198, %get3A_199] {strides = array<i32>} : memref<800x64xf32, #tpu.memory_space<vmem>>, vector<1x16xf32>,
        %get3A_201 = vector.shape_cast %get3A_200 : vector<1x16xf32> to vector<16xf32>
        %mul3A_202 = arith.constant 8.000000e+00 : f32
        %mul3A_203 = vector.broadcast %mul3A_202 : f32 to vector<16xf32>
        %mul3A_204 = arith.mulf %get3A_201, %mul3A_203 : vector<16xf32>
        %mul3A_205 = arith.constant 4 : i32
        %mul3A_206 = arith.muli %mul3A_205, %scan3A_55 : i32
        %add3A_207 = arith.constant 1 : i32
        %add3A_208 = arith.addi %mul3A_206, %add3A_207 : i32
        %swap3A_209 = arith.index_cast %add3A_208 : i32 to index
        %swap3A_210 = arith.constant 48 : index
        %swap3A_211 = tpu.vector_load %arg7[%swap3A_209, %swap3A_210] {strides = array<i32>} : memref<800x64xf32, #tpu.memory_space<vmem>>, vector<1x16xf32>,
        %swap3A_212 = vector.shape_cast %swap3A_211 : vector<1x16xf32> to vector<16xf32>
        %swap3A_213 = vector.shape_cast %mul3A_204 : vector<16xf32> to vector<1x16xf32>
        tpu.vector_store %arg7[%swap3A_209, %swap3A_210], %swap3A_213 {strides = array<i32>} : memref<800x64xf32, #tpu.memory_space<vmem>>, vector<1x16xf32>,
        %mul3A_214 = arith.constant 4 : i32
        %mul3A_215 = arith.muli %mul3A_214, %scan3A_55 : i32
        %add3A_216 = arith.constant 2 : i32
        %add3A_217 = arith.addi %mul3A_215, %add3A_216 : i32
        %get3A_218 = arith.index_cast %add3A_217 : i32 to index
        %get3A_219 = arith.constant 0 : index
        %get3A_220 = tpu.vector_load %arg7[%get3A_218, %get3A_219] {strides = array<i32>} : memref<800x64xf32, #tpu.memory_space<vmem>>, vector<1x16xf32>,
        %get3A_221 = vector.shape_cast %get3A_220 : vector<1x16xf32> to vector<16xf32>
        %mul3A_222 = arith.constant 8.000000e+00 : f32
        %mul3A_223 = vector.broadcast %mul3A_222 : f32 to vector<16xf32>
        %mul3A_224 = arith.mulf %get3A_221, %mul3A_223 : vector<16xf32>
        %mul3A_225 = arith.constant 4 : i32
        %mul3A_226 = arith.muli %mul3A_225, %scan3A_55 : i32
        %add3A_227 = arith.constant 2 : i32
        %add3A_228 = arith.addi %mul3A_226, %add3A_227 : i32
        %swap3A_229 = arith.index_cast %add3A_228 : i32 to index
        %swap3A_230 = arith.constant 0 : index
        %swap3A_231 = tpu.vector_load %arg7[%swap3A_229, %swap3A_230] {strides = array<i32>} : memref<800x64xf32, #tpu.memory_space<vmem>>, vector<1x16xf32>,
        %swap3A_232 = vector.shape_cast %swap3A_231 : vector<1x16xf32> to vector<16xf32>
        %swap3A_233 = vector.shape_cast %mul3A_224 : vector<16xf32> to vector<1x16xf32>
        tpu.vector_store %arg7[%swap3A_229, %swap3A_230], %swap3A_233 {strides = array<i32>} : memref<800x64xf32, #tpu.memory_space<vmem>>, vector<1x16xf32>,
        %mul3A_234 = arith.constant 4 : i32
        %mul3A_235 = arith.muli %mul3A_234, %scan3A_55 : i32
        %add3A_236 = arith.constant 2 : i32
        %add3A_237 = arith.addi %mul3A_235, %add3A_236 : i32
        %get3A_238 = arith.index_cast %add3A_237 : i32 to index
        %get3A_239 = arith.constant 16 : index
        %get3A_240 = tpu.vector_load %arg7[%get3A_238, %get3A_239] {strides = array<i32>} : memref<800x64xf32, #tpu.memory_space<vmem>>, vector<1x16xf32>,
        %get3A_241 = vector.shape_cast %get3A_240 : vector<1x16xf32> to vector<16xf32>
        %mul3A_242 = arith.constant 8.000000e+00 : f32
        %mul3A_243 = vector.broadcast %mul3A_242 : f32 to vector<16xf32>
        %mul3A_244 = arith.mulf %get3A_241, %mul3A_243 : vector<16xf32>
        %mul3A_245 = arith.constant 4 : i32
        %mul3A_246 = arith.muli %mul3A_245, %scan3A_55 : i32
        %add3A_247 = arith.constant 2 : i32
        %add3A_248 = arith.addi %mul3A_246, %add3A_247 : i32
        %swap3A_249 = arith.index_cast %add3A_248 : i32 to index
        %swap3A_250 = arith.constant 16 : index
        %swap3A_251 = tpu.vector_load %arg7[%swap3A_249, %swap3A_250] {strides = array<i32>} : memref<800x64xf32, #tpu.memory_space<vmem>>, vector<1x16xf32>,
        %swap3A_252 = vector.shape_cast %swap3A_251 : vector<1x16xf32> to vector<16xf32>
        %swap3A_253 = vector.shape_cast %mul3A_244 : vector<16xf32> to vector<1x16xf32>
        tpu.vector_store %arg7[%swap3A_249, %swap3A_250], %swap3A_253 {strides = array<i32>} : memref<800x64xf32, #tpu.memory_space<vmem>>, vector<1x16xf32>,
        %mul3A_254 = arith.constant 4 : i32
        %mul3A_255 = arith.muli %mul3A_254, %scan3A_55 : i32
        %add3A_256 = arith.constant 2 : i32
        %add3A_257 = arith.addi %mul3A_255, %add3A_256 : i32
        %get3A_258 = arith.index_cast %add3A_257 : i32 to index
        %get3A_259 = arith.constant 32 : index
        %get3A_260 = tpu.vector_load %arg7[%get3A_258, %get3A_259] {strides = array<i32>} : memref<800x64xf32, #tpu.memory_space<vmem>>, vector<1x16xf32>,
        %get3A_261 = vector.shape_cast %get3A_260 : vector<1x16xf32> to vector<16xf32>
        %mul3A_262 = arith.constant 8.000000e+00 : f32
        %mul3A_263 = vector.broadcast %mul3A_262 : f32 to vector<16xf32>
        %mul3A_264 = arith.mulf %get3A_261, %mul3A_263 : vector<16xf32>
        %mul3A_265 = arith.constant 4 : i32
        %mul3A_266 = arith.muli %mul3A_265, %scan3A_55 : i32
        %add3A_267 = arith.constant 2 : i32
        %add3A_268 = arith.addi %mul3A_266, %add3A_267 : i32
        %swap3A_269 = arith.index_cast %add3A_268 : i32 to index
        %swap3A_270 = arith.constant 32 : index
        %swap3A_271 = tpu.vector_load %arg7[%swap3A_269, %swap3A_270] {strides = array<i32>} : memref<800x64xf32, #tpu.memory_space<vmem>>, vector<1x16xf32>,
        %swap3A_272 = vector.shape_cast %swap3A_271 : vector<1x16xf32> to vector<16xf32>
        %swap3A_273 = vector.shape_cast %mul3A_264 : vector<16xf32> to vector<1x16xf32>
        tpu.vector_store %arg7[%swap3A_269, %swap3A_270], %swap3A_273 {strides = array<i32>} : memref<800x64xf32, #tpu.memory_space<vmem>>, vector<1x16xf32>,
        %mul3A_274 = arith.constant 4 : i32
        %mul3A_275 = arith.muli %mul3A_274, %scan3A_55 : i32
        %add3A_276 = arith.constant 2 : i32
        %add3A_277 = arith.addi %mul3A_275, %add3A_276 : i32
        %get3A_278 = arith.index_cast %add3A_277 : i32 to index
        %get3A_279 = arith.constant 48 : index
        %get3A_280 = tpu.vector_load %arg7[%get3A_278, %get3A_279] {strides = array<i32>} : memref<800x64xf32, #tpu.memory_space<vmem>>, vector<1x16xf32>,
        %get3A_281 = vector.shape_cast %get3A_280 : vector<1x16xf32> to vector<16xf32>
        %mul3A_282 = arith.constant 8.000000e+00 : f32
        %mul3A_283 = vector.broadcast %mul3A_282 : f32 to vector<16xf32>
        %mul3A_284 = arith.mulf %get3A_281, %mul3A_283 : vector<16xf32>
        %mul3A_285 = arith.constant 4 : i32
        %mul3A_286 = arith.muli %mul3A_285, %scan3A_55 : i32
        %add3A_287 = arith.constant 2 : i32
        %add3A_288 = arith.addi %mul3A_286, %add3A_287 : i32
        %swap3A_289 = arith.index_cast %add3A_288 : i32 to index
        %swap3A_290 = arith.constant 48 : index
        %swap3A_291 = tpu.vector_load %arg7[%swap3A_289, %swap3A_290] {strides = array<i32>} : memref<800x64xf32, #tpu.memory_space<vmem>>, vector<1x16xf32>,
        %swap3A_292 = vector.shape_cast %swap3A_291 : vector<1x16xf32> to vector<16xf32>
        %swap3A_293 = vector.shape_cast %mul3A_284 : vector<16xf32> to vector<1x16xf32>
        tpu.vector_store %arg7[%swap3A_289, %swap3A_290], %swap3A_293 {strides = array<i32>} : memref<800x64xf32, #tpu.memory_space<vmem>>, vector<1x16xf32>,
        %mul3A_294 = arith.constant 4 : i32
        %mul3A_295 = arith.muli %mul3A_294, %scan3A_55 : i32
        %add3A_296 = arith.constant 3 : i32
        %add3A_297 = arith.addi %mul3A_295, %add3A_296 : i32
        %get3A_298 = arith.index_cast %add3A_297 : i32 to index
        %get3A_299 = arith.constant 0 : index
        %get3A_300 = tpu.vector_load %arg7[%get3A_298, %get3A_299] {strides = array<i32>} : memref<800x64xf32, #tpu.memory_space<vmem>>, vector<1x16xf32>,
        %get3A_301 = vector.shape_cast %get3A_300 : vector<1x16xf32> to vector<16xf32>
        %mul3A_302 = arith.constant 8.000000e+00 : f32
        %mul3A_303 = vector.broadcast %mul3A_302 : f32 to vector<16xf32>
        %mul3A_304 = arith.mulf %get3A_301, %mul3A_303 : vector<16xf32>
        %mul3A_305 = arith.constant 4 : i32
        %mul3A_306 = arith.muli %mul3A_305, %scan3A_55 : i32
        %add3A_307 = arith.constant 3 : i32
        %add3A_308 = arith.addi %mul3A_306, %add3A_307 : i32
        %swap3A_309 = arith.index_cast %add3A_308 : i32 to index
        %swap3A_310 = arith.constant 0 : index
        %swap3A_311 = tpu.vector_load %arg7[%swap3A_309, %swap3A_310] {strides = array<i32>} : memref<800x64xf32, #tpu.memory_space<vmem>>, vector<1x16xf32>,
        %swap3A_312 = vector.shape_cast %swap3A_311 : vector<1x16xf32> to vector<16xf32>
        %swap3A_313 = vector.shape_cast %mul3A_304 : vector<16xf32> to vector<1x16xf32>
        tpu.vector_store %arg7[%swap3A_309, %swap3A_310], %swap3A_313 {strides = array<i32>} : memref<800x64xf32, #tpu.memory_space<vmem>>, vector<1x16xf32>,
        %mul3A_314 = arith.constant 4 : i32
        %mul3A_315 = arith.muli %mul3A_314, %scan3A_55 : i32
        %add3A_316 = arith.constant 3 : i32
        %add3A_317 = arith.addi %mul3A_315, %add3A_316 : i32
        %get3A_318 = arith.index_cast %add3A_317 : i32 to index
        %get3A_319 = arith.constant 16 : index
        %get3A_320 = tpu.vector_load %arg7[%get3A_318, %get3A_319] {strides = array<i32>} : memref<800x64xf32, #tpu.memory_space<vmem>>, vector<1x16xf32>,
        %get3A_321 = vector.shape_cast %get3A_320 : vector<1x16xf32> to vector<16xf32>
        %mul3A_322 = arith.constant 8.000000e+00 : f32
        %mul3A_323 = vector.broadcast %mul3A_322 : f32 to vector<16xf32>
        %mul3A_324 = arith.mulf %get3A_321, %mul3A_323 : vector<16xf32>
        %mul3A_325 = arith.constant 4 : i32
        %mul3A_326 = arith.muli %mul3A_325, %scan3A_55 : i32
        %add3A_327 = arith.constant 3 : i32
        %add3A_328 = arith.addi %mul3A_326, %add3A_327 : i32
        %swap3A_329 = arith.index_cast %add3A_328 : i32 to index
        %swap3A_330 = arith.constant 16 : index
        %swap3A_331 = tpu.vector_load %arg7[%swap3A_329, %swap3A_330] {strides = array<i32>} : memref<800x64xf32, #tpu.memory_space<vmem>>, vector<1x16xf32>,
        %swap3A_332 = vector.shape_cast %swap3A_331 : vector<1x16xf32> to vector<16xf32>
        %swap3A_333 = vector.shape_cast %mul3A_324 : vector<16xf32> to vector<1x16xf32>
        tpu.vector_store %arg7[%swap3A_329, %swap3A_330], %swap3A_333 {strides = array<i32>} : memref<800x64xf32, #tpu.memory_space<vmem>>, vector<1x16xf32>,
        %mul3A_334 = arith.constant 4 : i32
        %mul3A_335 = arith.muli %mul3A_334, %scan3A_55 : i32
        %add3A_336 = arith.constant 3 : i32
        %add3A_337 = arith.addi %mul3A_335, %add3A_336 : i32
        %get3A_338 = arith.index_cast %add3A_337 : i32 to index
        %get3A_339 = arith.constant 32 : index
        %get3A_340 = tpu.vector_load %arg7[%get3A_338, %get3A_339] {strides = array<i32>} : memref<800x64xf32, #tpu.memory_space<vmem>>, vector<1x16xf32>,
        %get3A_341 = vector.shape_cast %get3A_340 : vector<1x16xf32> to vector<16xf32>
        %mul3A_342 = arith.constant 8.000000e+00 : f32
        %mul3A_343 = vector.broadcast %mul3A_342 : f32 to vector<16xf32>
        %mul3A_344 = arith.mulf %get3A_341, %mul3A_343 : vector<16xf32>
        %mul3A_345 = arith.constant 4 : i32
        %mul3A_346 = arith.muli %mul3A_345, %scan3A_55 : i32
        %add3A_347 = arith.constant 3 : i32
        %add3A_348 = arith.addi %mul3A_346, %add3A_347 : i32
        %swap3A_349 = arith.index_cast %add3A_348 : i32 to index
        %swap3A_350 = arith.constant 32 : index
        %swap3A_351 = tpu.vector_load %arg7[%swap3A_349, %swap3A_350] {strides = array<i32>} : memref<800x64xf32, #tpu.memory_space<vmem>>, vector<1x16xf32>,
        %swap3A_352 = vector.shape_cast %swap3A_351 : vector<1x16xf32> to vector<16xf32>
        %swap3A_353 = vector.shape_cast %mul3A_344 : vector<16xf32> to vector<1x16xf32>
        tpu.vector_store %arg7[%swap3A_349, %swap3A_350], %swap3A_353 {strides = array<i32>} : memref<800x64xf32, #tpu.memory_space<vmem>>, vector<1x16xf32>,
        %mul3A_354 = arith.constant 4 : i32
        %mul3A_355 = arith.muli %mul3A_354, %scan3A_55 : i32
        %add3A_356 = arith.constant 3 : i32
        %add3A_357 = arith.addi %mul3A_355, %add3A_356 : i32
        %get3A_358 = arith.index_cast %add3A_357 : i32 to index
        %get3A_359 = arith.constant 48 : index
        %get3A_360 = tpu.vector_load %arg7[%get3A_358, %get3A_359] {strides = array<i32>} : memref<800x64xf32, #tpu.memory_space<vmem>>, vector<1x16xf32>,
        %get3A_361 = vector.shape_cast %get3A_360 : vector<1x16xf32> to vector<16xf32>
        %mul3A_362 = arith.constant 8.000000e+00 : f32
        %mul3A_363 = vector.broadcast %mul3A_362 : f32 to vector<16xf32>
        %mul3A_364 = arith.mulf %get3A_361, %mul3A_363 : vector<16xf32>
        %mul3A_365 = arith.constant 4 : i32
        %mul3A_366 = arith.muli %mul3A_365, %scan3A_55 : i32
        %add3A_367 = arith.constant 3 : i32
        %add3A_368 = arith.addi %mul3A_366, %add3A_367 : i32
        %swap3A_369 = arith.index_cast %add3A_368 : i32 to index
        %swap3A_370 = arith.constant 48 : index
        %swap3A_371 = tpu.vector_load %arg7[%swap3A_369, %swap3A_370] {strides = array<i32>} : memref<800x64xf32, #tpu.memory_space<vmem>>, vector<1x16xf32>,
        %swap3A_372 = vector.shape_cast %swap3A_371 : vector<1x16xf32> to vector<16xf32>
        %swap3A_373 = vector.shape_cast %mul3A_364 : vector<16xf32> to vector<1x16xf32>
        tpu.vector_store %arg7[%swap3A_369, %swap3A_370], %swap3A_373 {strides = array<i32>} : memref<800x64xf32, #tpu.memory_space<vmem>>, vector<1x16xf32>,
      }
      %scan3A_28 = arith.constant 200 : i32
      %mul3A_29 = arith.constant 800 : i32
      %mul3A_30 = arith.muli %add3A_16, %mul3A_29 : i32
      %add3A_31 = arith.addi %mul3A_2, %mul3A_30 : i32
      "tpu.region"() ({
        %run_scoped3A = tpu.sem_alloc : memref<!tpu.dma_semaphore, #tpu.memory_space<semaphore_mem>>
        %dma_start3A_55 = arith.constant 0 : i32
        %dma_start3A_56 = tpu.memref_slice %arg4[%add3A_31, %dma_start3A_55] : memref<819200x64xf32, #tpu.memory_space<hbm>> -> memref<800x64xf32, #tpu.memory_space<hbm>>
        %dma_start3A_57 = arith.constant 0 : i32
        %dma_start3A_58 = tpu.memref_slice %arg4[%add3A_31, %dma_start3A_57] : memref<819200x64xf32, #tpu.memory_space<hbm>> -> memref<800x64xf32, #tpu.memory_space<hbm>>
        tpu.enqueue_dma source(%arg7 : memref<800x64xf32, #tpu.memory_space<vmem>>) target(%dma_start3A_58 : memref<800x64xf32, #tpu.memory_space<hbm>>) target_semaphore(%run_scoped3A : memref<!tpu.dma_semaphore, #tpu.memory_space<semaphore_mem>>)
        %dma_wait3A_59 = arith.constant 0 : i32
        %dma_wait3A_60 = tpu.memref_slice %arg4[%add3A_31, %dma_wait3A_59] : memref<819200x64xf32, #tpu.memory_space<hbm>> -> memref<800x64xf32, #tpu.memory_space<hbm>>
        %dma_wait3A_61 = arith.constant 0 : i32
        %dma_wait3A_62 = tpu.memref_slice %arg4[%add3A_31, %dma_wait3A_61] : memref<819200x64xf32, #tpu.memory_space<hbm>> -> memref<800x64xf32, #tpu.memory_space<hbm>>
        tpu.wait_dma2 semaphore(%run_scoped3A : memref<!tpu.dma_semaphore, #tpu.memory_space<semaphore_mem>>) src(%arg7 : memref<800x64xf32, #tpu.memory_space<vmem>>) dst(%dma_wait3A_62 : memref<800x64xf32, #tpu.memory_space<hbm>>)
        tpu.yield
      }) : () -> ()
      %mul3A_32 = arith.constant 2 : i32
      %mul3A_33 = arith.muli %mul3A_32, %scan3A_12 : i32
      %add3A_34 = arith.constant 1 : i32
      %add3A_35 = arith.addi %mul3A_33, %add3A_34 : i32
      %dma_wait3A_36 = arith.constant 0 : i32
      %dma_wait3A_37 = arith.constant 0 : i32
      %dma_wait3A_38 = tpu.memref_slice %arg3[%dma_wait3A_36, %dma_wait3A_37] : memref<1000000x64xf32, #tpu.memory_space<hbm>> -> memref<1000000x64xf32, #tpu.memory_space<hbm>>
      tpu.wait_indirect_dma semaphore(%arg10 : memref<!tpu.dma_semaphore, #tpu.memory_space<semaphore_mem>>) src(%dma_wait3A_38 : memref<1000000x64xf32, #tpu.memory_space<hbm>>) dst(%arg8 : memref<800x64xf32, #tpu.memory_space<vmem>>)
      %add3A_39 = arith.constant 1 : i32
      %add3A_40 = arith.addi %add3A_35, %add3A_39 : i32
      %lt3A_41 = arith.constant 32 : i32
      %lt3A_42 = arith.cmpi slt, %add3A_40, %lt3A_41 : i32
      %convert_element_type3A_43 = arith.extui %lt3A_42 : i1 to i32
      %cond3A_44 = arith.constant 0 : i32
      %cond3A_45 = arith.cmpi ne, %convert_element_type3A_43, %cond3A_44 : i32
      scf.if %cond3A_45 {
        %add3A_55 = arith.constant 1 : i32
        %add3A_56 = arith.addi %add3A_35, %add3A_55 : i32
        %mul3A_57 = arith.constant 800 : i32
        %mul3A_58 = arith.muli %add3A_56, %mul3A_57 : i32
        %add3A_59 = arith.addi %mul3A_2, %mul3A_58 : i32
        "tpu.region"() ({
          %run_scoped3A = tpu.sem_alloc : memref<!tpu.dma_semaphore, #tpu.memory_space<semaphore_mem>>
          %dma_start3A_63 = tpu.memref_slice %arg2[%add3A_59] : memref<819200xi32, #tpu.memory_space<hbm>> -> memref<800xi32, #tpu.memory_space<hbm>>
          %dma_start3A_64 = tpu.memref_slice %arg2[%add3A_59] : memref<819200xi32, #tpu.memory_space<hbm>> -> memref<800xi32, #tpu.memory_space<hbm>>
          tpu.enqueue_dma source(%dma_start3A_64 : memref<800xi32, #tpu.memory_space<hbm>>) target(%arg5 : memref<800xi32, #tpu.memory_space<vmem>>) target_semaphore(%run_scoped3A : memref<!tpu.dma_semaphore, #tpu.memory_space<semaphore_mem>>)
          %dma_wait3A_65 = tpu.memref_slice %arg2[%add3A_59] : memref<819200xi32, #tpu.memory_space<hbm>> -> memref<800xi32, #tpu.memory_space<hbm>>
          %dma_wait3A_66 = tpu.memref_slice %arg2[%add3A_59] : memref<819200xi32, #tpu.memory_space<hbm>> -> memref<800xi32, #tpu.memory_space<hbm>>
          tpu.wait_dma2 semaphore(%run_scoped3A : memref<!tpu.dma_semaphore, #tpu.memory_space<semaphore_mem>>) src(%dma_wait3A_66 : memref<800xi32, #tpu.memory_space<hbm>>) dst(%arg5 : memref<800xi32, #tpu.memory_space<vmem>>)
          tpu.yield
        }) : () -> ()
        %dma_start3A_60 = arith.constant 0 : i32
        %dma_start3A_61 = arith.constant 0 : i32
        %dma_start3A_62 = tpu.memref_slice %arg3[%dma_start3A_60, %dma_start3A_61] : memref<1000000x64xf32, #tpu.memory_space<hbm>> -> memref<1000000x64xf32, #tpu.memory_space<hbm>>
        tpu.enqueue_indirect_dma source(%dma_start3A_62 : memref<1000000x64xf32, #tpu.memory_space<hbm>>) target(%arg7 : memref<800x64xf32, #tpu.memory_space<vmem>>) offsets(%arg5 : memref<800xi32, #tpu.memory_space<vmem>>) semaphore(%arg9 : memref<!tpu.dma_semaphore, #tpu.memory_space<semaphore_mem>>)
      } else {
      }
      %scan3A_46 = arith.constant 0 : i32
      %scan3A_47 = arith.constant 0 : i32
      %scan3A_48 = arith.constant 200 : i32
      %scan3A_49 = arith.addi %scan3A_47, %scan3A_48 : i32
      %scan3A_50 = arith.constant 1 : i32
      scf.for %scan3A_55 = %scan3A_47 to %scan3A_49 step %scan3A_50  : i32 {
        %mul3A_56 = arith.constant 4 : i32
        %mul3A_57 = arith.muli %mul3A_56, %scan3A_55 : i32
        %add3A_58 = arith.constant 0 : i32
        %add3A_59 = arith.addi %mul3A_57, %add3A_58 : i32
        %get3A = arith.index_cast %add3A_59 : i32 to index
        %get3A_60 = arith.constant 0 : index
        %get3A_61 = tpu.vector_load %arg8[%get3A, %get3A_60] {strides = array<i32>} : memref<800x64xf32, #tpu.memory_space<vmem>>, vector<1x16xf32>,
        %get3A_62 = vector.shape_cast %get3A_61 : vector<1x16xf32> to vector<16xf32>
        %mul3A_63 = arith.constant 8.000000e+00 : f32
        %mul3A_64 = vector.broadcast %mul3A_63 : f32 to vector<16xf32>
        %mul3A_65 = arith.mulf %get3A_62, %mul3A_64 : vector<16xf32>
        %mul3A_66 = arith.constant 4 : i32
        %mul3A_67 = arith.muli %mul3A_66, %scan3A_55 : i32
        %add3A_68 = arith.constant 0 : i32
        %add3A_69 = arith.addi %mul3A_67, %add3A_68 : i32
        %swap3A = arith.index_cast %add3A_69 : i32 to index
        %swap3A_70 = arith.constant 0 : index
        %swap3A_71 = tpu.vector_load %arg8[%swap3A, %swap3A_70] {strides = array<i32>} : memref<800x64xf32, #tpu.memory_space<vmem>>, vector<1x16xf32>,
        %swap3A_72 = vector.shape_cast %swap3A_71 : vector<1x16xf32> to vector<16xf32>
        %swap3A_73 = vector.shape_cast %mul3A_65 : vector<16xf32> to vector<1x16xf32>
        tpu.vector_store %arg8[%swap3A, %swap3A_70], %swap3A_73 {strides = array<i32>} : memref<800x64xf32, #tpu.memory_space<vmem>>, vector<1x16xf32>,
        %mul3A_74 = arith.constant 4 : i32
        %mul3A_75 = arith.muli %mul3A_74, %scan3A_55 : i32
        %add3A_76 = arith.constant 0 : i32
        %add3A_77 = arith.addi %mul3A_75, %add3A_76 : i32
        %get3A_78 = arith.index_cast %add3A_77 : i32 to index
        %get3A_79 = arith.constant 16 : index
        %get3A_80 = tpu.vector_load %arg8[%get3A_78, %get3A_79] {strides = array<i32>} : memref<800x64xf32, #tpu.memory_space<vmem>>, vector<1x16xf32>,
        %get3A_81 = vector.shape_cast %get3A_80 : vector<1x16xf32> to vector<16xf32>
        %mul3A_82 = arith.constant 8.000000e+00 : f32
        %mul3A_83 = vector.broadcast %mul3A_82 : f32 to vector<16xf32>
        %mul3A_84 = arith.mulf %get3A_81, %mul3A_83 : vector<16xf32>
        %mul3A_85 = arith.constant 4 : i32
        %mul3A_86 = arith.muli %mul3A_85, %scan3A_55 : i32
        %add3A_87 = arith.constant 0 : i32
        %add3A_88 = arith.addi %mul3A_86, %add3A_87 : i32
        %swap3A_89 = arith.index_cast %add3A_88 : i32 to index
        %swap3A_90 = arith.constant 16 : index
        %swap3A_91 = tpu.vector_load %arg8[%swap3A_89, %swap3A_90] {strides = array<i32>} : memref<800x64xf32, #tpu.memory_space<vmem>>, vector<1x16xf32>,
        %swap3A_92 = vector.shape_cast %swap3A_91 : vector<1x16xf32> to vector<16xf32>
        %swap3A_93 = vector.shape_cast %mul3A_84 : vector<16xf32> to vector<1x16xf32>
        tpu.vector_store %arg8[%swap3A_89, %swap3A_90], %swap3A_93 {strides = array<i32>} : memref<800x64xf32, #tpu.memory_space<vmem>>, vector<1x16xf32>,
        %mul3A_94 = arith.constant 4 : i32
        %mul3A_95 = arith.muli %mul3A_94, %scan3A_55 : i32
        %add3A_96 = arith.constant 0 : i32
        %add3A_97 = arith.addi %mul3A_95, %add3A_96 : i32
        %get3A_98 = arith.index_cast %add3A_97 : i32 to index
        %get3A_99 = arith.constant 32 : index
        %get3A_100 = tpu.vector_load %arg8[%get3A_98, %get3A_99] {strides = array<i32>} : memref<800x64xf32, #tpu.memory_space<vmem>>, vector<1x16xf32>,
        %get3A_101 = vector.shape_cast %get3A_100 : vector<1x16xf32> to vector<16xf32>
        %mul3A_102 = arith.constant 8.000000e+00 : f32
        %mul3A_103 = vector.broadcast %mul3A_102 : f32 to vector<16xf32>
        %mul3A_104 = arith.mulf %get3A_101, %mul3A_103 : vector<16xf32>
        %mul3A_105 = arith.constant 4 : i32
        %mul3A_106 = arith.muli %mul3A_105, %scan3A_55 : i32
        %add3A_107 = arith.constant 0 : i32
        %add3A_108 = arith.addi %mul3A_106, %add3A_107 : i32
        %swap3A_109 = arith.index_cast %add3A_108 : i32 to index
        %swap3A_110 = arith.constant 32 : index
        %swap3A_111 = tpu.vector_load %arg8[%swap3A_109, %swap3A_110] {strides = array<i32>} : memref<800x64xf32, #tpu.memory_space<vmem>>, vector<1x16xf32>,
        %swap3A_112 = vector.shape_cast %swap3A_111 : vector<1x16xf32> to vector<16xf32>
        %swap3A_113 = vector.shape_cast %mul3A_104 : vector<16xf32> to vector<1x16xf32>
        tpu.vector_store %arg8[%swap3A_109, %swap3A_110], %swap3A_113 {strides = array<i32>} : memref<800x64xf32, #tpu.memory_space<vmem>>, vector<1x16xf32>,
        %mul3A_114 = arith.constant 4 : i32
        %mul3A_115 = arith.muli %mul3A_114, %scan3A_55 : i32
        %add3A_116 = arith.constant 0 : i32
        %add3A_117 = arith.addi %mul3A_115, %add3A_116 : i32
        %get3A_118 = arith.index_cast %add3A_117 : i32 to index
        %get3A_119 = arith.constant 48 : index
        %get3A_120 = tpu.vector_load %arg8[%get3A_118, %get3A_119] {strides = array<i32>} : memref<800x64xf32, #tpu.memory_space<vmem>>, vector<1x16xf32>,
        %get3A_121 = vector.shape_cast %get3A_120 : vector<1x16xf32> to vector<16xf32>
        %mul3A_122 = arith.constant 8.000000e+00 : f32
        %mul3A_123 = vector.broadcast %mul3A_122 : f32 to vector<16xf32>
        %mul3A_124 = arith.mulf %get3A_121, %mul3A_123 : vector<16xf32>
        %mul3A_125 = arith.constant 4 : i32
        %mul3A_126 = arith.muli %mul3A_125, %scan3A_55 : i32
        %add3A_127 = arith.constant 0 : i32
        %add3A_128 = arith.addi %mul3A_126, %add3A_127 : i32
        %swap3A_129 = arith.index_cast %add3A_128 : i32 to index
        %swap3A_130 = arith.constant 48 : index
        %swap3A_131 = tpu.vector_load %arg8[%swap3A_129, %swap3A_130] {strides = array<i32>} : memref<800x64xf32, #tpu.memory_space<vmem>>, vector<1x16xf32>,
        %swap3A_132 = vector.shape_cast %swap3A_131 : vector<1x16xf32> to vector<16xf32>
        %swap3A_133 = vector.shape_cast %mul3A_124 : vector<16xf32> to vector<1x16xf32>
        tpu.vector_store %arg8[%swap3A_129, %swap3A_130], %swap3A_133 {strides = array<i32>} : memref<800x64xf32, #tpu.memory_space<vmem>>, vector<1x16xf32>,
        %mul3A_134 = arith.constant 4 : i32
        %mul3A_135 = arith.muli %mul3A_134, %scan3A_55 : i32
        %add3A_136 = arith.constant 1 : i32
        %add3A_137 = arith.addi %mul3A_135, %add3A_136 : i32
        %get3A_138 = arith.index_cast %add3A_137 : i32 to index
        %get3A_139 = arith.constant 0 : index
        %get3A_140 = tpu.vector_load %arg8[%get3A_138, %get3A_139] {strides = array<i32>} : memref<800x64xf32, #tpu.memory_space<vmem>>, vector<1x16xf32>,
        %get3A_141 = vector.shape_cast %get3A_140 : vector<1x16xf32> to vector<16xf32>
        %mul3A_142 = arith.constant 8.000000e+00 : f32
        %mul3A_143 = vector.broadcast %mul3A_142 : f32 to vector<16xf32>
        %mul3A_144 = arith.mulf %get3A_141, %mul3A_143 : vector<16xf32>
        %mul3A_145 = arith.constant 4 : i32
        %mul3A_146 = arith.muli %mul3A_145, %scan3A_55 : i32
        %add3A_147 = arith.constant 1 : i32
        %add3A_148 = arith.addi %mul3A_146, %add3A_147 : i32
        %swap3A_149 = arith.index_cast %add3A_148 : i32 to index
        %swap3A_150 = arith.constant 0 : index
        %swap3A_151 = tpu.vector_load %arg8[%swap3A_149, %swap3A_150] {strides = array<i32>} : memref<800x64xf32, #tpu.memory_space<vmem>>, vector<1x16xf32>,
        %swap3A_152 = vector.shape_cast %swap3A_151 : vector<1x16xf32> to vector<16xf32>
        %swap3A_153 = vector.shape_cast %mul3A_144 : vector<16xf32> to vector<1x16xf32>
        tpu.vector_store %arg8[%swap3A_149, %swap3A_150], %swap3A_153 {strides = array<i32>} : memref<800x64xf32, #tpu.memory_space<vmem>>, vector<1x16xf32>,
        %mul3A_154 = arith.constant 4 : i32
        %mul3A_155 = arith.muli %mul3A_154, %scan3A_55 : i32
        %add3A_156 = arith.constant 1 : i32
        %add3A_157 = arith.addi %mul3A_155, %add3A_156 : i32
        %get3A_158 = arith.index_cast %add3A_157 : i32 to index
        %get3A_159 = arith.constant 16 : index
        %get3A_160 = tpu.vector_load %arg8[%get3A_158, %get3A_159] {strides = array<i32>} : memref<800x64xf32, #tpu.memory_space<vmem>>, vector<1x16xf32>,
        %get3A_161 = vector.shape_cast %get3A_160 : vector<1x16xf32> to vector<16xf32>
        %mul3A_162 = arith.constant 8.000000e+00 : f32
        %mul3A_163 = vector.broadcast %mul3A_162 : f32 to vector<16xf32>
        %mul3A_164 = arith.mulf %get3A_161, %mul3A_163 : vector<16xf32>
        %mul3A_165 = arith.constant 4 : i32
        %mul3A_166 = arith.muli %mul3A_165, %scan3A_55 : i32
        %add3A_167 = arith.constant 1 : i32
        %add3A_168 = arith.addi %mul3A_166, %add3A_167 : i32
        %swap3A_169 = arith.index_cast %add3A_168 : i32 to index
        %swap3A_170 = arith.constant 16 : index
        %swap3A_171 = tpu.vector_load %arg8[%swap3A_169, %swap3A_170] {strides = array<i32>} : memref<800x64xf32, #tpu.memory_space<vmem>>, vector<1x16xf32>,
        %swap3A_172 = vector.shape_cast %swap3A_171 : vector<1x16xf32> to vector<16xf32>
        %swap3A_173 = vector.shape_cast %mul3A_164 : vector<16xf32> to vector<1x16xf32>
        tpu.vector_store %arg8[%swap3A_169, %swap3A_170], %swap3A_173 {strides = array<i32>} : memref<800x64xf32, #tpu.memory_space<vmem>>, vector<1x16xf32>,
        %mul3A_174 = arith.constant 4 : i32
        %mul3A_175 = arith.muli %mul3A_174, %scan3A_55 : i32
        %add3A_176 = arith.constant 1 : i32
        %add3A_177 = arith.addi %mul3A_175, %add3A_176 : i32
        %get3A_178 = arith.index_cast %add3A_177 : i32 to index
        %get3A_179 = arith.constant 32 : index
        %get3A_180 = tpu.vector_load %arg8[%get3A_178, %get3A_179] {strides = array<i32>} : memref<800x64xf32, #tpu.memory_space<vmem>>, vector<1x16xf32>,
        %get3A_181 = vector.shape_cast %get3A_180 : vector<1x16xf32> to vector<16xf32>
        %mul3A_182 = arith.constant 8.000000e+00 : f32
        %mul3A_183 = vector.broadcast %mul3A_182 : f32 to vector<16xf32>
        %mul3A_184 = arith.mulf %get3A_181, %mul3A_183 : vector<16xf32>
        %mul3A_185 = arith.constant 4 : i32
        %mul3A_186 = arith.muli %mul3A_185, %scan3A_55 : i32
        %add3A_187 = arith.constant 1 : i32
        %add3A_188 = arith.addi %mul3A_186, %add3A_187 : i32
        %swap3A_189 = arith.index_cast %add3A_188 : i32 to index
        %swap3A_190 = arith.constant 32 : index
        %swap3A_191 = tpu.vector_load %arg8[%swap3A_189, %swap3A_190] {strides = array<i32>} : memref<800x64xf32, #tpu.memory_space<vmem>>, vector<1x16xf32>,
        %swap3A_192 = vector.shape_cast %swap3A_191 : vector<1x16xf32> to vector<16xf32>
        %swap3A_193 = vector.shape_cast %mul3A_184 : vector<16xf32> to vector<1x16xf32>
        tpu.vector_store %arg8[%swap3A_189, %swap3A_190], %swap3A_193 {strides = array<i32>} : memref<800x64xf32, #tpu.memory_space<vmem>>, vector<1x16xf32>,
        %mul3A_194 = arith.constant 4 : i32
        %mul3A_195 = arith.muli %mul3A_194, %scan3A_55 : i32
        %add3A_196 = arith.constant 1 : i32
        %add3A_197 = arith.addi %mul3A_195, %add3A_196 : i32
        %get3A_198 = arith.index_cast %add3A_197 : i32 to index
        %get3A_199 = arith.constant 48 : index
        %get3A_200 = tpu.vector_load %arg8[%get3A_198, %get3A_199] {strides = array<i32>} : memref<800x64xf32, #tpu.memory_space<vmem>>, vector<1x16xf32>,
        %get3A_201 = vector.shape_cast %get3A_200 : vector<1x16xf32> to vector<16xf32>
        %mul3A_202 = arith.constant 8.000000e+00 : f32
        %mul3A_203 = vector.broadcast %mul3A_202 : f32 to vector<16xf32>
        %mul3A_204 = arith.mulf %get3A_201, %mul3A_203 : vector<16xf32>
        %mul3A_205 = arith.constant 4 : i32
        %mul3A_206 = arith.muli %mul3A_205, %scan3A_55 : i32
        %add3A_207 = arith.constant 1 : i32
        %add3A_208 = arith.addi %mul3A_206, %add3A_207 : i32
        %swap3A_209 = arith.index_cast %add3A_208 : i32 to index
        %swap3A_210 = arith.constant 48 : index
        %swap3A_211 = tpu.vector_load %arg8[%swap3A_209, %swap3A_210] {strides = array<i32>} : memref<800x64xf32, #tpu.memory_space<vmem>>, vector<1x16xf32>,
        %swap3A_212 = vector.shape_cast %swap3A_211 : vector<1x16xf32> to vector<16xf32>
        %swap3A_213 = vector.shape_cast %mul3A_204 : vector<16xf32> to vector<1x16xf32>
        tpu.vector_store %arg8[%swap3A_209, %swap3A_210], %swap3A_213 {strides = array<i32>} : memref<800x64xf32, #tpu.memory_space<vmem>>, vector<1x16xf32>,
        %mul3A_214 = arith.constant 4 : i32
        %mul3A_215 = arith.muli %mul3A_214, %scan3A_55 : i32
        %add3A_216 = arith.constant 2 : i32
        %add3A_217 = arith.addi %mul3A_215, %add3A_216 : i32
        %get3A_218 = arith.index_cast %add3A_217 : i32 to index
        %get3A_219 = arith.constant 0 : index
        %get3A_220 = tpu.vector_load %arg8[%get3A_218, %get3A_219] {strides = array<i32>} : memref<800x64xf32, #tpu.memory_space<vmem>>, vector<1x16xf32>,
        %get3A_221 = vector.shape_cast %get3A_220 : vector<1x16xf32> to vector<16xf32>
        %mul3A_222 = arith.constant 8.000000e+00 : f32
        %mul3A_223 = vector.broadcast %mul3A_222 : f32 to vector<16xf32>
        %mul3A_224 = arith.mulf %get3A_221, %mul3A_223 : vector<16xf32>
        %mul3A_225 = arith.constant 4 : i32
        %mul3A_226 = arith.muli %mul3A_225, %scan3A_55 : i32
        %add3A_227 = arith.constant 2 : i32
        %add3A_228 = arith.addi %mul3A_226, %add3A_227 : i32
        %swap3A_229 = arith.index_cast %add3A_228 : i32 to index
        %swap3A_230 = arith.constant 0 : index
        %swap3A_231 = tpu.vector_load %arg8[%swap3A_229, %swap3A_230] {strides = array<i32>} : memref<800x64xf32, #tpu.memory_space<vmem>>, vector<1x16xf32>,
        %swap3A_232 = vector.shape_cast %swap3A_231 : vector<1x16xf32> to vector<16xf32>
        %swap3A_233 = vector.shape_cast %mul3A_224 : vector<16xf32> to vector<1x16xf32>
        tpu.vector_store %arg8[%swap3A_229, %swap3A_230], %swap3A_233 {strides = array<i32>} : memref<800x64xf32, #tpu.memory_space<vmem>>, vector<1x16xf32>,
        %mul3A_234 = arith.constant 4 : i32
        %mul3A_235 = arith.muli %mul3A_234, %scan3A_55 : i32
        %add3A_236 = arith.constant 2 : i32
        %add3A_237 = arith.addi %mul3A_235, %add3A_236 : i32
        %get3A_238 = arith.index_cast %add3A_237 : i32 to index
        %get3A_239 = arith.constant 16 : index
        %get3A_240 = tpu.vector_load %arg8[%get3A_238, %get3A_239] {strides = array<i32>} : memref<800x64xf32, #tpu.memory_space<vmem>>, vector<1x16xf32>,
        %get3A_241 = vector.shape_cast %get3A_240 : vector<1x16xf32> to vector<16xf32>
        %mul3A_242 = arith.constant 8.000000e+00 : f32
        %mul3A_243 = vector.broadcast %mul3A_242 : f32 to vector<16xf32>
        %mul3A_244 = arith.mulf %get3A_241, %mul3A_243 : vector<16xf32>
        %mul3A_245 = arith.constant 4 : i32
        %mul3A_246 = arith.muli %mul3A_245, %scan3A_55 : i32
        %add3A_247 = arith.constant 2 : i32
        %add3A_248 = arith.addi %mul3A_246, %add3A_247 : i32
        %swap3A_249 = arith.index_cast %add3A_248 : i32 to index
        %swap3A_250 = arith.constant 16 : index
        %swap3A_251 = tpu.vector_load %arg8[%swap3A_249, %swap3A_250] {strides = array<i32>} : memref<800x64xf32, #tpu.memory_space<vmem>>, vector<1x16xf32>,
        %swap3A_252 = vector.shape_cast %swap3A_251 : vector<1x16xf32> to vector<16xf32>
        %swap3A_253 = vector.shape_cast %mul3A_244 : vector<16xf32> to vector<1x16xf32>
        tpu.vector_store %arg8[%swap3A_249, %swap3A_250], %swap3A_253 {strides = array<i32>} : memref<800x64xf32, #tpu.memory_space<vmem>>, vector<1x16xf32>,
        %mul3A_254 = arith.constant 4 : i32
        %mul3A_255 = arith.muli %mul3A_254, %scan3A_55 : i32
        %add3A_256 = arith.constant 2 : i32
        %add3A_257 = arith.addi %mul3A_255, %add3A_256 : i32
        %get3A_258 = arith.index_cast %add3A_257 : i32 to index
        %get3A_259 = arith.constant 32 : index
        %get3A_260 = tpu.vector_load %arg8[%get3A_258, %get3A_259] {strides = array<i32>} : memref<800x64xf32, #tpu.memory_space<vmem>>, vector<1x16xf32>,
        %get3A_261 = vector.shape_cast %get3A_260 : vector<1x16xf32> to vector<16xf32>
        %mul3A_262 = arith.constant 8.000000e+00 : f32
        %mul3A_263 = vector.broadcast %mul3A_262 : f32 to vector<16xf32>
        %mul3A_264 = arith.mulf %get3A_261, %mul3A_263 : vector<16xf32>
        %mul3A_265 = arith.constant 4 : i32
        %mul3A_266 = arith.muli %mul3A_265, %scan3A_55 : i32
        %add3A_267 = arith.constant 2 : i32
        %add3A_268 = arith.addi %mul3A_266, %add3A_267 : i32
        %swap3A_269 = arith.index_cast %add3A_268 : i32 to index
        %swap3A_270 = arith.constant 32 : index
        %swap3A_271 = tpu.vector_load %arg8[%swap3A_269, %swap3A_270] {strides = array<i32>} : memref<800x64xf32, #tpu.memory_space<vmem>>, vector<1x16xf32>,
        %swap3A_272 = vector.shape_cast %swap3A_271 : vector<1x16xf32> to vector<16xf32>
        %swap3A_273 = vector.shape_cast %mul3A_264 : vector<16xf32> to vector<1x16xf32>
        tpu.vector_store %arg8[%swap3A_269, %swap3A_270], %swap3A_273 {strides = array<i32>} : memref<800x64xf32, #tpu.memory_space<vmem>>, vector<1x16xf32>,
        %mul3A_274 = arith.constant 4 : i32
        %mul3A_275 = arith.muli %mul3A_274, %scan3A_55 : i32
        %add3A_276 = arith.constant 2 : i32
        %add3A_277 = arith.addi %mul3A_275, %add3A_276 : i32
        %get3A_278 = arith.index_cast %add3A_277 : i32 to index
        %get3A_279 = arith.constant 48 : index
        %get3A_280 = tpu.vector_load %arg8[%get3A_278, %get3A_279] {strides = array<i32>} : memref<800x64xf32, #tpu.memory_space<vmem>>, vector<1x16xf32>,
        %get3A_281 = vector.shape_cast %get3A_280 : vector<1x16xf32> to vector<16xf32>
        %mul3A_282 = arith.constant 8.000000e+00 : f32
        %mul3A_283 = vector.broadcast %mul3A_282 : f32 to vector<16xf32>
        %mul3A_284 = arith.mulf %get3A_281, %mul3A_283 : vector<16xf32>
        %mul3A_285 = arith.constant 4 : i32
        %mul3A_286 = arith.muli %mul3A_285, %scan3A_55 : i32
        %add3A_287 = arith.constant 2 : i32
        %add3A_288 = arith.addi %mul3A_286, %add3A_287 : i32
        %swap3A_289 = arith.index_cast %add3A_288 : i32 to index
        %swap3A_290 = arith.constant 48 : index
        %swap3A_291 = tpu.vector_load %arg8[%swap3A_289, %swap3A_290] {strides = array<i32>} : memref<800x64xf32, #tpu.memory_space<vmem>>, vector<1x16xf32>,
        %swap3A_292 = vector.shape_cast %swap3A_291 : vector<1x16xf32> to vector<16xf32>
        %swap3A_293 = vector.shape_cast %mul3A_284 : vector<16xf32> to vector<1x16xf32>
        tpu.vector_store %arg8[%swap3A_289, %swap3A_290], %swap3A_293 {strides = array<i32>} : memref<800x64xf32, #tpu.memory_space<vmem>>, vector<1x16xf32>,
        %mul3A_294 = arith.constant 4 : i32
        %mul3A_295 = arith.muli %mul3A_294, %scan3A_55 : i32
        %add3A_296 = arith.constant 3 : i32
        %add3A_297 = arith.addi %mul3A_295, %add3A_296 : i32
        %get3A_298 = arith.index_cast %add3A_297 : i32 to index
        %get3A_299 = arith.constant 0 : index
        %get3A_300 = tpu.vector_load %arg8[%get3A_298, %get3A_299] {strides = array<i32>} : memref<800x64xf32, #tpu.memory_space<vmem>>, vector<1x16xf32>,
        %get3A_301 = vector.shape_cast %get3A_300 : vector<1x16xf32> to vector<16xf32>
        %mul3A_302 = arith.constant 8.000000e+00 : f32
        %mul3A_303 = vector.broadcast %mul3A_302 : f32 to vector<16xf32>
        %mul3A_304 = arith.mulf %get3A_301, %mul3A_303 : vector<16xf32>
        %mul3A_305 = arith.constant 4 : i32
        %mul3A_306 = arith.muli %mul3A_305, %scan3A_55 : i32
        %add3A_307 = arith.constant 3 : i32
        %add3A_308 = arith.addi %mul3A_306, %add3A_307 : i32
        %swap3A_309 = arith.index_cast %add3A_308 : i32 to index
        %swap3A_310 = arith.constant 0 : index
        %swap3A_311 = tpu.vector_load %arg8[%swap3A_309, %swap3A_310] {strides = array<i32>} : memref<800x64xf32, #tpu.memory_space<vmem>>, vector<1x16xf32>,
        %swap3A_312 = vector.shape_cast %swap3A_311 : vector<1x16xf32> to vector<16xf32>
        %swap3A_313 = vector.shape_cast %mul3A_304 : vector<16xf32> to vector<1x16xf32>
        tpu.vector_store %arg8[%swap3A_309, %swap3A_310], %swap3A_313 {strides = array<i32>} : memref<800x64xf32, #tpu.memory_space<vmem>>, vector<1x16xf32>,
        %mul3A_314 = arith.constant 4 : i32
        %mul3A_315 = arith.muli %mul3A_314, %scan3A_55 : i32
        %add3A_316 = arith.constant 3 : i32
        %add3A_317 = arith.addi %mul3A_315, %add3A_316 : i32
        %get3A_318 = arith.index_cast %add3A_317 : i32 to index
        %get3A_319 = arith.constant 16 : index
        %get3A_320 = tpu.vector_load %arg8[%get3A_318, %get3A_319] {strides = array<i32>} : memref<800x64xf32, #tpu.memory_space<vmem>>, vector<1x16xf32>,
        %get3A_321 = vector.shape_cast %get3A_320 : vector<1x16xf32> to vector<16xf32>
        %mul3A_322 = arith.constant 8.000000e+00 : f32
        %mul3A_323 = vector.broadcast %mul3A_322 : f32 to vector<16xf32>
        %mul3A_324 = arith.mulf %get3A_321, %mul3A_323 : vector<16xf32>
        %mul3A_325 = arith.constant 4 : i32
        %mul3A_326 = arith.muli %mul3A_325, %scan3A_55 : i32
        %add3A_327 = arith.constant 3 : i32
        %add3A_328 = arith.addi %mul3A_326, %add3A_327 : i32
        %swap3A_329 = arith.index_cast %add3A_328 : i32 to index
        %swap3A_330 = arith.constant 16 : index
        %swap3A_331 = tpu.vector_load %arg8[%swap3A_329, %swap3A_330] {strides = array<i32>} : memref<800x64xf32, #tpu.memory_space<vmem>>, vector<1x16xf32>,
        %swap3A_332 = vector.shape_cast %swap3A_331 : vector<1x16xf32> to vector<16xf32>
        %swap3A_333 = vector.shape_cast %mul3A_324 : vector<16xf32> to vector<1x16xf32>
        tpu.vector_store %arg8[%swap3A_329, %swap3A_330], %swap3A_333 {strides = array<i32>} : memref<800x64xf32, #tpu.memory_space<vmem>>, vector<1x16xf32>,
        %mul3A_334 = arith.constant 4 : i32
        %mul3A_335 = arith.muli %mul3A_334, %scan3A_55 : i32
        %add3A_336 = arith.constant 3 : i32
        %add3A_337 = arith.addi %mul3A_335, %add3A_336 : i32
        %get3A_338 = arith.index_cast %add3A_337 : i32 to index
        %get3A_339 = arith.constant 32 : index
        %get3A_340 = tpu.vector_load %arg8[%get3A_338, %get3A_339] {strides = array<i32>} : memref<800x64xf32, #tpu.memory_space<vmem>>, vector<1x16xf32>,
        %get3A_341 = vector.shape_cast %get3A_340 : vector<1x16xf32> to vector<16xf32>
        %mul3A_342 = arith.constant 8.000000e+00 : f32
        %mul3A_343 = vector.broadcast %mul3A_342 : f32 to vector<16xf32>
        %mul3A_344 = arith.mulf %get3A_341, %mul3A_343 : vector<16xf32>
        %mul3A_345 = arith.constant 4 : i32
        %mul3A_346 = arith.muli %mul3A_345, %scan3A_55 : i32
        %add3A_347 = arith.constant 3 : i32
        %add3A_348 = arith.addi %mul3A_346, %add3A_347 : i32
        %swap3A_349 = arith.index_cast %add3A_348 : i32 to index
        %swap3A_350 = arith.constant 32 : index
        %swap3A_351 = tpu.vector_load %arg8[%swap3A_349, %swap3A_350] {strides = array<i32>} : memref<800x64xf32, #tpu.memory_space<vmem>>, vector<1x16xf32>,
        %swap3A_352 = vector.shape_cast %swap3A_351 : vector<1x16xf32> to vector<16xf32>
        %swap3A_353 = vector.shape_cast %mul3A_344 : vector<16xf32> to vector<1x16xf32>
        tpu.vector_store %arg8[%swap3A_349, %swap3A_350], %swap3A_353 {strides = array<i32>} : memref<800x64xf32, #tpu.memory_space<vmem>>, vector<1x16xf32>,
        %mul3A_354 = arith.constant 4 : i32
        %mul3A_355 = arith.muli %mul3A_354, %scan3A_55 : i32
        %add3A_356 = arith.constant 3 : i32
        %add3A_357 = arith.addi %mul3A_355, %add3A_356 : i32
        %get3A_358 = arith.index_cast %add3A_357 : i32 to index
        %get3A_359 = arith.constant 48 : index
        %get3A_360 = tpu.vector_load %arg8[%get3A_358, %get3A_359] {strides = array<i32>} : memref<800x64xf32, #tpu.memory_space<vmem>>, vector<1x16xf32>,
        %get3A_361 = vector.shape_cast %get3A_360 : vector<1x16xf32> to vector<16xf32>
        %mul3A_362 = arith.constant 8.000000e+00 : f32
        %mul3A_363 = vector.broadcast %mul3A_362 : f32 to vector<16xf32>
        %mul3A_364 = arith.mulf %get3A_361, %mul3A_363 : vector<16xf32>
        %mul3A_365 = arith.constant 4 : i32
        %mul3A_366 = arith.muli %mul3A_365, %scan3A_55 : i32
        %add3A_367 = arith.constant 3 : i32
        %add3A_368 = arith.addi %mul3A_366, %add3A_367 : i32
        %swap3A_369 = arith.index_cast %add3A_368 : i32 to index
        %swap3A_370 = arith.constant 48 : index
        %swap3A_371 = tpu.vector_load %arg8[%swap3A_369, %swap3A_370] {strides = array<i32>} : memref<800x64xf32, #tpu.memory_space<vmem>>, vector<1x16xf32>,
        %swap3A_372 = vector.shape_cast %swap3A_371 : vector<1x16xf32> to vector<16xf32>
        %swap3A_373 = vector.shape_cast %mul3A_364 : vector<16xf32> to vector<1x16xf32>
        tpu.vector_store %arg8[%swap3A_369, %swap3A_370], %swap3A_373 {strides = array<i32>} : memref<800x64xf32, #tpu.memory_space<vmem>>, vector<1x16xf32>,
      }
      %scan3A_51 = arith.constant 200 : i32
      %mul3A_52 = arith.constant 800 : i32
      %mul3A_53 = arith.muli %add3A_35, %mul3A_52 : i32
      %add3A_54 = arith.addi %mul3A_2, %mul3A_53 : i32
      "tpu.region"() ({
        %run_scoped3A = tpu.sem_alloc : memref<!tpu.dma_semaphore, #tpu.memory_space<semaphore_mem>>
        %dma_start3A_55 = arith.constant 0 : i32
        %dma_start3A_56 = tpu.memref_slice %arg4[%add3A_54, %dma_start3A_55] : memref<819200x64xf32, #tpu.memory_space<hbm>> -> memref<800x64xf32, #tpu.memory_space<hbm>>
        %dma_start3A_57 = arith.constant 0 : i32
        %dma_start3A_58 = tpu.memref_slice %arg4[%add3A_54, %dma_start3A_57] : memref<819200x64xf32, #tpu.memory_space<hbm>> -> memref<800x64xf32, #tpu.memory_space<hbm>>
        tpu.enqueue_dma source(%arg8 : memref<800x64xf32, #tpu.memory_space<vmem>>) target(%dma_start3A_58 : memref<800x64xf32, #tpu.memory_space<hbm>>) target_semaphore(%run_scoped3A : memref<!tpu.dma_semaphore, #tpu.memory_space<semaphore_mem>>)
        %dma_wait3A_59 = arith.constant 0 : i32
        %dma_wait3A_60 = tpu.memref_slice %arg4[%add3A_54, %dma_wait3A_59] : memref<819200x64xf32, #tpu.memory_space<hbm>> -> memref<800x64xf32, #tpu.memory_space<hbm>>
        %dma_wait3A_61 = arith.constant 0 : i32
        %dma_wait3A_62 = tpu.memref_slice %arg4[%add3A_54, %dma_wait3A_61] : memref<819200x64xf32, #tpu.memory_space<hbm>> -> memref<800x64xf32, #tpu.memory_space<hbm>>
        tpu.wait_dma2 semaphore(%run_scoped3A : memref<!tpu.dma_semaphore, #tpu.memory_space<semaphore_mem>>) src(%arg8 : memref<800x64xf32, #tpu.memory_space<vmem>>) dst(%dma_wait3A_62 : memref<800x64xf32, #tpu.memory_space<hbm>>)
        tpu.yield
      }) : () -> ()
    }
    %scan3A_11 = arith.constant 16 : i32
    return
  }
}

</mosaic_0001>

<sc_bundles>
// kernel: _lookup.3.cloned.1.call-start
scs
__scs_entry_jumppad:
0x0: {  	(pc) =	sbr.rel $0x88, $3  }
0x1: {  	(tag) =	ssettag $0x0;
	lr =	simm.s32 $0x1  }
0x2: {  	[smem:$0x3F9F] =	sst lr;
	_ =	strace $0xD0000000  }
0x3: {  	_ = 	snop  }
0x4: {  	_ = 	snop  }
0x5: {  	_ = 	snop  }
0x6: {  	_ = 	snop  }
0x7: {  	_ = 	snop  }
__scs_overlays_trampoline_lowered:
0x8: {  	[smem:$0x3FAE] =	sst s0  }
0x9: {  	[smem:$0x3FAF] =	sst s1  }
0xa: {  	[smem:$0x3FB0] =	sst s2  }
0xb: {  	[smem:$0x3FB1] =	sst s3  }
0xc: {  	[smem:$0x3FB2] =	sst s4  }
0xd: {  	[smem:$0x3FB3] =	sst s5  }
0xe: {  	[smem:$0x3FB4] =	sst s6  }
0xf: {  	[smem:$0x3FB5] =	sst s7  }
0x10: {  	[smem:$0x3FB6] =	sst s8  }
0x11: {  	[smem:$0x3FB7] =	sst s9;
	s0 =	simm.s32 @!p0 $0x0  }
0x12: {  	s1 =	sld [smem:$0x3F9D];
	s0 =	simm.s32 @p0 $0x1  }
0x13: {  	[smem:$0x3FB8] =	sst s0;
	s0 =	simm.s32 @!p1 $0x0  }
0x14: {  	s2 =	sld [smem:$0x3F9C];
	s0 =	simm.s32 @p1 $0x1  }
0x15: {  	[smem:$0x3FB9] =	sst s0;
	s0 =	simm.s32 @!p2 $0x0  }
0x16: {  	s3 =	sld [smem:$0x3FDB];
	s0 =	simm.s32 @p2 $0x1  }
0x17: {  	s4 =	simm.s32 $0x1BF5;
	[smem:$0x3FBB] =	sst s0  }
0x18: {  	s0 =	sld [smem:$0x3F9E];
	_ =	swait.ge [sflag:s4], $0x0  }
0x19: {  	s7 =	sld [smem:$0x3F9F]  }
0x1a: {  	s8 =	sadd.s32 $0xFFFFE003, lr  }
0x1b: {  	s9 =	sadd.s32 $0xFFFFFEF7, lr;
	s5 =	simm.s32 $0xFFFFFFFF;
	p2 =	slt.u32 s8, $0xFFFFF086  }
0x1c: {  	p1 =	slt.u32 s9, $0xF7A;
	s5 =	simm.s32 @!p2 $0x0  }
0x1d: {  	s5 =	simm.s32 @p1 $0x1;
	p0 =	seq.s32 s7, s2  }
0x1e: {  	s7 =	smul.u32 @!p0 $0xF7A, s2;
	p2 =	seq.s32 @!p0 s5, $0x0  }
0x1f: {  	s9 =	smul.u32 $0xF7A, s1;
	s8 =	simm.s32 @!p0 $0x1BF5;
	p2 =	por !p2, p0  }
0x20: {  	[sflag:s8] =	ssyncset.s32 @!p0 $0xFFFFF086;
	s6 =	sadd.s32 @!p0 s3, s7;
	s7 =	simm.s32 @!p0 $0x108  }
0x21: {  	s3 =	sadd.s32 s3, s9;
	s6 =	sadd.s32 @!p0 $0x88, s6;
	s7 =	simm.s32 @p2 $0x1082  }
0x22: {  	[simem:s7], [sflag:s8] =	dma.local @!p0 [hbm:s6], $0xF7A  }
0x23: {  	s9 =	sor.u32 $0xD0000000, s2;
	s6 =	simm.s32 $0x108;
	_ =	swait.ge @!p0 [sflag:s8], $0x0  }
0x24: {  	s3 =	sadd.s32 $0x88, s3;
	s6 =	simm.s32 @!p1 $0x1082;
	[sflag:s4] =	ssyncset.s32 $0xFFFFF086  }
0x25: {  	[simem:s6], [sflag:s4] =	dma.local [hbm:s3], $0xF7A  }
0x26: {  	[smem:$0x3F9F] =	sst s1;
	(tag) =	ssettag s2;
	_ =	strace s9  }
0x27: {  	s1 =	sld [smem:$0x3FAF]  }
0x28: {  	s2 =	sld [smem:$0x3FB0]  }
0x29: {  	s4 =	sld [smem:$0x3FB2]  }
0x2a: {  	p0 =	seq.s32 s5, $0x0;
	s5 =	sld [smem:$0x3FB3]  }
0x2b: {  	s6 =	sld [smem:$0x3FB4]  }
0x2c: {  	s7 =	sld [smem:$0x3FB5]  }
0x2d: {  	s3 =	simm.s32 $0x108;
	s8 =	sld [smem:$0x3FB6]  }
0x2e: {  	s3 =	simm.s32 @!p0 $0x1082;
	s9 =	sld [smem:$0x3FB7]  }
0x2f: {  	lr =	sadd.s32 s0, s3;
	s0 =	sld [smem:$0x3FAE]  }
0x30: {  	s3 =	sld [smem:$0x3FB1]  }
0x31: {  	[smem:$0x3FBA] =	sst s10  }
0x32: {  	s10 =	sld [smem:$0x3FB8];
	_ =	sdelay $0x3  }
0x33: {  	p0 =	seq.s32 s10, $0x1;
	s10 =	sld [smem:$0x3FBA];
	_ =	sdelay $0x3  }
0x34: {  	[smem:$0x3FBA] =	sst s10  }
0x35: {  	s10 =	sld [smem:$0x3FB9];
	_ =	sdelay $0x3  }
0x36: {  	p1 =	seq.s32 s10, $0x1;
	s10 =	sld [smem:$0x3FBA];
	_ =	sdelay $0x3  }
0x37: {  	[smem:$0x3FBA] =	sst s10  }
0x38: {  	s10 =	sld [smem:$0x3FBB]  }
0x39: {  	_ = 	snop;
	(pc) =	sbr.ind lr, $3  }
0x3a: {  	_ = 	snop  }
0x3b: {  	_ = 	snop  }
0x3c: {  	p2 =	seq.s32 s10, $0x1;
	s10 =	sld [smem:$0x3FBA]  }
0x3d: {  	_ =	shalt  }
0x3e: {  	_ =	shalt  }
0x3f: {  	_ =	shalt  }
0x40: {  	_ =	shalt  }
0x41: {  	_ =	shalt  }
0x42: {  	_ =	shalt  }
0x43: {  	_ =	shalt  }
0x44: {  	_ =	shalt  }
0x45: {  	_ =	shalt  }
0x46: {  	_ =	shalt  }
0x47: {  	_ =	shalt  }
0x48: {  	_ =	shalt  }
0x49: {  	_ =	shalt  }
0x4a: {  	_ =	shalt  }
0x4b: {  	_ =	shalt  }
0x4c: {  	_ =	shalt  }
0x4d: {  	_ =	shalt  }
0x4e: {  	_ =	shalt  }
0x4f: {  	_ =	shalt  }
0x50: {  	_ =	shalt  }
0x51: {  	_ =	shalt  }
0x52: {  	_ =	shalt  }
0x53: {  	_ =	shalt  }
0x54: {  	_ =	shalt  }
0x55: {  	_ =	shalt  }
0x56: {  	_ =	shalt  }
0x57: {  	_ =	shalt  }
0x58: {  	_ =	shalt  }
0x59: {  	_ =	shalt  }
0x5a: {  	_ =	shalt  }
0x5b: {  	_ =	shalt  }
0x5c: {  	_ =	shalt  }
0x5d: {  	_ =	shalt  }
0x5e: {  	_ =	shalt  }
0x5f: {  	_ =	shalt  }
0x60: {  	_ =	shalt  }
0x61: {  	_ =	shalt  }
0x62: {  	_ =	shalt  }
0x63: {  	_ =	shalt  }
0x64: {  	_ =	shalt  }
0x65: {  	_ =	shalt  }
0x66: {  	_ =	shalt  }
0x67: {  	_ =	shalt  }
0x68: {  	_ =	shalt  }
0x69: {  	_ =	shalt  }
0x6a: {  	_ =	shalt  }
0x6b: {  	_ =	shalt  }
0x6c: {  	_ =	shalt  }
0x6d: {  	_ =	shalt  }
0x6e: {  	_ =	shalt  }
0x6f: {  	_ =	shalt  }
0x70: {  	_ =	shalt  }
0x71: {  	_ =	shalt  }
0x72: {  	_ =	shalt  }
0x73: {  	_ =	shalt  }
0x74: {  	_ =	shalt  }
0x75: {  	_ =	shalt  }
0x76: {  	_ =	shalt  }
0x77: {  	_ =	shalt  }
0x78: {  	_ =	shalt  }
0x79: {  	_ =	shalt  }
0x7a: {  	_ =	shalt  }
0x7b: {  	_ =	shalt  }
0x7c: {  	_ =	shalt  }
0x7d: {  	_ =	shalt  }
0x7e: {  	_ =	shalt  }
0x7f: {  	_ =	shalt  }
0x80: {  	_ =	shalt  }
0x81: {  	_ =	shalt  }
0x82: {  	_ =	shalt  }
0x83: {  	_ =	shalt  }
0x84: {  	_ =	shalt  }
0x85: {  	_ =	shalt  }
0x86: {  	_ =	shalt  }
0x87: {  	_ =	shalt  }
.Lfunc_end0:
.L_simem_size_0:
called_computation.1_lowered:
.L_overlay_start_0:
0x88: {  	s2 =	sld [smem:$0x3FD9]  }
0x89: {  	s3 =	sld [smem:$0x3FFE];
	_ =	sdelay $0x1  }
0x8a: {  	s1 =	srdreg.scid  }
0x8b: {  	s0 =	sand.u32 $0x1, s1  }
0x8c: {  	s17 =	sshll.u32 s0, $0xA;
	s2 =	sadd.s32 s3, s2  }
0x8d: {  	s2 =	sadd.s32 s2, s17  }
0x8e: {  	[smem:$0x3FC6] =	sst s2  }
0x8f: {  	_ = 	snop  }
0x90: {  	s2 =	sld [smem:$0x3FC9]  }
0x91: {  	s18 =	sld [smem:$0x3FD0];
	(tm) =	ssettm $0x1  }
0x92: {  	s4 =	sld [smem:$0x3FFB];
	_ =	sdelay $0x3  }
0x93: {  	_ =	strace s4  }
0x94: {  	s4 =	sld [smem:$0x3FFC];
	_ =	sdelay $0x3  }
0x95: {  	_ =	strace s4  }
0x96: {  	s4 =	sld [smem:$0x3FFD];
	_ =	sdelay $0x3  }
0x97: {  	_ =	strace s4  }
0x98: {  	_ =	strace $0x8FFFFFFF  }
0x99: {  	s19 =	sld [smem:$0x3FDB];
	_ =	sdelay $0x1  }
0x9a: {  	s5 =	simm.s32 $_scs_section_size  }
0x9b: {  	s6 =	simm.s32 $_size__tile_overlayer_lowered;
	s7 =	simm.s32 $_tile_overlayer_lowered  }
0x9c: {  	s22 =	simm.s32 $0x1BFF;
	s21 =	sshll.u32 s7, $0x1;
	s4 =	sadd.s32 s5, s19  }
0x9d: {  	s8 =	simm.s32 $0x0;
	s20 =	sshll.u32 s6, $0x1;
	s6 =	sadd.s32 s21, s4  }
0x9e: {  	[timem:s8], [sflag:s22] =	dma.local [hbm:s6], s20  }
0x9f: {  	_ =	swait.ge [sflag:s22], s20  }
0xa0: {  	s5 =	ssub.s32 $0x0, s20;
	[sflag:s22] =	ssyncset.done $0x0  }
0xa1: {  	[sflag:s22] =	ssyncadd.s32 s5;
	_ =	sdelay $0x1  }
0xa2: {  	s23 =	simm.s32 $0x1B8B  }
0xa3: {  	_ =	swait.ge [sflag:s23], $0x1  }
0xa4: {  	[sflag:s23] =	ssyncset.done $0x0  }
0xa5: {  	s25 =	simm.s32 $0x1B8E;
	s24 =	sld [smem:$0x3FFE];
	[sflag:s23] =	ssyncadd.s32 $0xFFFFFFFF  }
0xa6: {  	s26 =	simm.s32 $execute0_lowered;
	[smem:$0x3FD2] =	sst s25  }
0xa7: {  	s6 =	sshll.u32 s26, $0x1;
	_ =	strace $0x80000046;
	[dreg:$0x1] =	wrdreg $0xFFFFFFFF  }
0xa8: {  	s28 =	simm.s32 $_size_execute0_lowered;
	s4 =	sadd.s32 s4, s6;
	[dreg:$0x0] =	wrdreg $0x0  }
0xa9: {  	s6 =	sshll.u32 s28, $0x1;
	[dreg:$0x2] =	wrdreg s4  }
0xaa: {  	[dreg:$0x3] =	wrdreg s6  }
0xab: {  	[dreg:$0x4] =	wrdreg $0xC0  }
0xac: {  	_ =	task [dreg:s8], $0x5FFFF  }
0xad: {  	[dreg:$0x1] =	wrdreg $0xFFFFFFFF  }
0xae: {  	[dreg:$0x0] =	wrdreg $0x60  }
0xaf: {  	[dreg:$0x2] =	wrdreg s2  }
0xb0: {  	[dreg:$0x3] =	wrdreg s24  }
0xb1: {  	[dreg:$0x4] =	wrdreg s18  }
0xb2: {  	[dreg:$0x5] =	wrdreg $0x9  }
0xb3: {  	_ =	task.clear_ibuf [dreg:s8], $0x6FFFF;
	_ =	strace $0x90000046  }
0xb4: {  	s29 =	simm.s32 $0x9;
	_ =	strace $0x80000048  }
0xb5: {  	_ =	swait.ge [sflag:s29], $0x1  }
0xb6: {  	[sflag:s29] =	ssyncadd.s32 $0xFFFFFFFF  }
0xb7: {  	_ =	strace $0x90000048  }
0xb8: {  	_ =	sfence  }
0xb9: {  	s30 =	sld [smem:$0x0];
	_ =	sdelay $0x2  }
0xba: {  	s31 =	sshll.u32 s1, $0xD;
	s1 =	sshrl.u32 s1, $0x2  }
0xbb: {  	s3 =	sand.u32 $0x4000, s31;
	s1 =	sadd.s32 s1, s30  }
0xbc: {  	s0 =	sor.u32 s3, s0;
	s1 =	sshll.u32 s1, $0x11  }
0xbd: {  	s0 =	sor.u32 s1, s0  }
0xbe: {  	s0 =	sadd.s32 $0x8F2B, s0  }
0xbf: {  	[sflag:s0] =	ssyncadd.remote.s32 $0x1  }
0xc0: {  	_ =	sfence.sel $0xFFFF  }
0xc1: {  	[dreg:$0x0] =	wrdreg $0xFFFFFFFF;
	(pc) =	sbr.abs _section_cstart, $3  }
0xc2: {  	[dreg:$0x1] =	wrdreg $0xFFFFFFFF  }
0xc3: {  	_ =	task.clear_ibuf [dreg:s8], $0x2FFFF;
	_ =	strace $0x9FFFFFFF  }
0xc4: {  	(tm) =	ssettm $0x7FFFFFFF  }
0xc5: {  	_ =	shalt  }
tec
execute0_lowered:
.L_overlay_start_1:
0x0: {  	(tag) =	ssettag $0x1  }
0x1: {  	s1 =	rddreg [dreg:$0x0]  }
0x2: {  	s6 =	rddreg [dreg:$0x1];
	s2 =	srdreg.scid  }
0x3: {  	s0 =	stileid.u32;
	s3 =	rddreg [dreg:$0x2]  }
0x4: {  	s4 =	simm.s32 $0x0;
	s11 =	simm.s32 $0x3;
	s12 =	simm.s32 $0x320  }
0x5: {  	s13 =	simm.s32 $0x640;
	s14 =	simm.s32 $0x1;
	s15 =	simm.s32 $0xCE40  }
0x6: {  	s16 =	simm.s32 $0x2;
	s7 =	sand.u32 $0x1, s2;
	s5 =	sshll.u32 s0, $0x1  }
0x7: {  	s17 =	simm.s32 $0x0;
	s2 =	rddreg [dreg:$0x3];
	s5 =	sor.u32 s7, s5  }
0x8: {  	[smem:$0x7FF] =	sst s4;
	s7 =	ssub.s32 $0x2, s7;
	s5 =	smul.u32 $0x6400, s5  }
0x9: {  	s6 =	sadd.s32 $0xF42C00, s6;
	_ =	strace $0x80000047;
	s8 =	sshrl.u32 s7, $0x1  }
0xa: {  	s10 =	ssub.s32 s7, s8;
	s9 =	sshrl.u32 s5, $0x3;
	s8 =	sor.u32 $0x320, s5  }
0xb: {  	s10 =	smax.u32 s10, $0x1;
	s7 =	sadd.s32 s1, s9;
	s9 =	sadd.s32 $0x640, s5  }
.LBB2_1:
0xc: {  	[tilespmem:s4], [sflag:$0x3] =	stream.linear.gather [hbm4b:s7+s4], $0x320, $0x38;
	[tilespmem:$0x19640] =	vst v63  }
0xd: {  	_ =	swait.ge [sflag:s11], $0x320  }
0xe: {  	[sflag:s11] =	ssyncset.done $0x0  }
0xf: {  	s18 =	simm.s32 $0x0;
	[sflag:s11] =	ssyncadd.s32 $0xFFFFFCE0  }
0x10: {  	[tilespmem:s13], [sflag:$0x1] =	stream.indirect.gather [hbm4b:s6+s12], $0x40, s4, s12, $0xb8;
	[tilespmem:$0x19640] =	vst v63  }
.LBB2_2:
0x11: {  	s20 =	smul.u32 $0x640, s18;
	_ =	sdelay $0x1  }
0x12: {  	_ =	swait.ge [sflag:s14], $0xC800;
	s19 =	sadd.s32 s20, s8  }
0x13: {  	[sflag:s14] =	ssyncset.done $0x0;
	s21 =	sshrl.u32 s19, $0x3  }
0x14: {  	s22 =	simm.s32 $0x0;
	[sflag:s14] =	ssyncadd.s32 $0xFFFF3800;
	s21 =	sadd.s32 s1, s21  }
0x15: {  	[tilespmem:s12], [sflag:$0x3] =	stream.linear.gather [hbm4b:s21+s22], $0x320, $0x38;
	[tilespmem:$0x19640] =	vst v63  }
0x16: {  	_ =	swait.ge [sflag:s11], $0x320  }
0x17: {  	[sflag:s11] =	ssyncset.done $0x0  }
0x18: {  	s21 =	simm.s32 $0x0;
	[sflag:s11] =	ssyncadd.s32 $0xFFFFFCE0  }
0x19: {  	[tilespmem:s15], [sflag:$0x2] =	stream.indirect.gather [hbm4b:s6+s12], $0x40, s12, s12, $0xb8;
	[tilespmem:$0x19640] =	vst v63  }
0x1a: {  	v0 =	vld [tilespmem:s21+$0x640]  }
0x1b: {  	v1 =	vld [tilespmem:s21+$0x650]  }
0x1c: {  	v2 =	vld [tilespmem:s21+$0x660]  }
0x1d: {  	v3 =	vld [tilespmem:s21+$0x670]  }
0x1e: {  	v4 =	vld [tilespmem:s21+$0x680]  }
0x1f: {  	v5 =	vld [tilespmem:s21+$0x690];
	v0 =	vmul.f32 $8.000000000e+00, v0  }
0x20: {  	v6 =	vld [tilespmem:s21+$0x6A0];
	v1 =	vmul.f32 $8.000000000e+00, v1  }
0x21: {  	v7 =	vld [tilespmem:s21+$0x6B0];
	[tilespmem:s21+$0x640] =	vst v0;
	v0 =	vmul.f32 $8.000000000e+00, v2  }
0x22: {  	v8 =	vld [tilespmem:s21+$0x6C0];
	[tilespmem:s21+$0x650] =	vst v1;
	v1 =	vmul.f32 $8.000000000e+00, v3  }
0x23: {  	v9 =	vld [tilespmem:s21+$0x6D0];
	[tilespmem:s21+$0x660] =	vst v0;
	v0 =	vmul.f32 $8.000000000e+00, v4  }
0x24: {  	v2 =	vmul.f32 $8.000000000e+00, v5;
	[tilespmem:s21+$0x670] =	vst v1;
	v1 =	vld [tilespmem:s21+$0x6E0]  }
0x25: {  	v3 =	vmul.f32 $8.000000000e+00, v6;
	[tilespmem:s21+$0x680] =	vst v0;
	v0 =	vld [tilespmem:s21+$0x6F0]  }
0x26: {  	[tilespmem:s21+$0x690] =	vst v2;
	v2 =	vld [tilespmem:s21+$0x700];
	v4 =	vmul.f32 $8.000000000e+00, v7  }
0x27: {  	v6 =	vmul.f32 $8.000000000e+00, v8;
	[tilespmem:s21+$0x6A0] =	vst v3;
	v3 =	vld [tilespmem:s21+$0x710]  }
0x28: {  	s22 =	simm.s32 $0x400;
	v5 =	vmul.f32 $8.000000000e+00, v9;
	[tilespmem:s21+$0x6B0] =	vst v4;
	v4 =	vld [tilespmem:s21+$0x720]  }
.LBB2_3:
0x29: {  	s23 =	sshra.s32 s22, $0x2;
	p0 =	sne.s32 s22, $0x31C00;
	[tilespmem:s21+$0x6C0] =	vst v6;
	v1 =	vmul.f32 $8.000000000e+00, v1;
	v6 =	vld [tilespmem:s21+$0x730]  }
0x2a: {  	v7 =	vld [tilespmem:s23+$0x640];
	[tilespmem:s21+$0x6D0] =	vst v5;
	v0 =	vmul.f32 $8.000000000e+00, v0  }
0x2b: {  	v5 =	vld [tilespmem:s23+$0x650];
	[tilespmem:s21+$0x6E0] =	vst v1;
	v1 =	vmul.f32 $8.000000000e+00, v2  }
0x2c: {  	v2 =	vld [tilespmem:s23+$0x660];
	[tilespmem:s21+$0x6F0] =	vst v0;
	v0 =	vmul.f32 $8.000000000e+00, v3  }
0x2d: {  	v3 =	vld [tilespmem:s23+$0x670];
	[tilespmem:s21+$0x700] =	vst v1;
	v1 =	vmul.f32 $8.000000000e+00, v4  }
0x2e: {  	v4 =	vld [tilespmem:s23+$0x680];
	[tilespmem:s21+$0x710] =	vst v0;
	v0 =	vmul.f32 $8.000000000e+00, v6  }
0x2f: {  	v6 =	vmul.f32 $8.000000000e+00, v7;
	v7 =	vld [tilespmem:s23+$0x690];
	[tilespmem:s21+$0x720] =	vst v1  }
0x30: {  	v1 =	vmul.f32 $8.000000000e+00, v5;
	v5 =	vld [tilespmem:s23+$0x6A0];
	[tilespmem:s21+$0x730] =	vst v0;
	s21 =	smov.u32 s23  }
0x31: {  	[tilespmem:s21+$0x640] =	vst v6;
	v0 =	vmul.f32 $8.000000000e+00, v2;
	v2 =	vld [tilespmem:s21+$0x6B0]  }
0x32: {  	[tilespmem:s21+$0x650] =	vst v1;
	v1 =	vmul.f32 $8.000000000e+00, v3;
	v3 =	vld [tilespmem:s21+$0x6C0]  }
0x33: {  	[tilespmem:s21+$0x660] =	vst v0;
	v0 =	vmul.f32 $8.000000000e+00, v4;
	v4 =	vld [tilespmem:s21+$0x6D0]  }
.Ltmp0:
0x34: {  	[tilespmem:s21+$0x670] =	vst v1;
	v6 =	vmul.f32 $8.000000000e+00, v7;
	v1 =	vld [tilespmem:s21+$0x6E0];
	(pc) =	sbr.rel @p0 .LBB2_3-.Ltmp0, $4  }
0x35: {  	[tilespmem:s21+$0x680] =	vst v0;
	v5 =	vmul.f32 $8.000000000e+00, v5;
	v0 =	vld [tilespmem:s21+$0x6F0]  }
0x36: {  	[tilespmem:s21+$0x690] =	vst v6;
	v7 =	vmul.f32 $8.000000000e+00, v2;
	v2 =	vld [tilespmem:s21+$0x700]  }
0x37: {  	[tilespmem:s21+$0x6A0] =	vst v5;
	v6 =	vmul.f32 $8.000000000e+00, v3;
	v3 =	vld [tilespmem:s21+$0x710]  }
0x38: {  	s22 =	sadd.s32 $0x400, s22;
	[tilespmem:s21+$0x6B0] =	vst v7;
	v5 =	vmul.f32 $8.000000000e+00, v4;
	v4 =	vld [tilespmem:s21+$0x720]  }
0x39: {  	[tilespmem:s21+$0x6C0] =	vst v6;
	v1 =	vmul.f32 $8.000000000e+00, v1;
	v6 =	vld [tilespmem:s21+$0x730]  }
0x3a: {  	[tilespmem:s21+$0x6D0] =	vst v5;
	v0 =	vmul.f32 $8.000000000e+00, v0  }
0x3b: {  	[tilespmem:s21+$0x6E0] =	vst v1;
	v1 =	vmul.f32 $8.000000000e+00, v2  }
0x3c: {  	[tilespmem:s21+$0x6F0] =	vst v0;
	v0 =	vmul.f32 $8.000000000e+00, v3  }
0x3d: {  	[tilespmem:s21+$0x700] =	vst v1;
	v1 =	vmul.f32 $8.000000000e+00, v4  }
0x3e: {  	s22 =	sadd.s32 s5, s20;
	[tilespmem:s21+$0x710] =	vst v0;
	v0 =	vmul.f32 $8.000000000e+00, v6  }
0x3f: {  	s22 =	sshll.u32 s22, $0x3;
	[tilespmem:s21+$0x720] =	vst v1  }
0x40: {  	s31 =	sadd.s32 s3, s22;
	[tilespmem:s21+$0x730] =	vst v0  }
0x41: {  	[hbm4b:s31+s4] =	stream.linear.scatter [tilespmem:s13], [sflag:$0x3], $0xC800, $0x38;
	[tilespmem:$0x19640] =	vst v63  }
0x42: {  	_ =	swait.ge [sflag:s11], $0xC800  }
0x43: {  	[sflag:s11] =	ssyncset.done $0x0  }
0x44: {  	p0 =	seq.s32 s18, $0xF;
	[sflag:s11] =	ssyncadd.s32 $0xFFFF3800  }
0x45: {  	s20 =	sadd.s32 @!p0 s20, s9;
	_ =	swait.ge [sflag:s16], $0xC800  }
0x46: {  	s20 =	sshrl.u32 @!p0 s20, $0x3;
	[sflag:s16] =	ssyncset.done $0x0  }
0x47: {  	s20 =	sadd.s32 @!p0 s1, s20;
	s21 =	simm.s32 @!p0 $0x0;
	[sflag:s16] =	ssyncadd.s32 $0xFFFF3800  }
0x48: {  	[tilespmem:s21], [sflag:$0x3] =	stream.linear.gather @!p0 [hbm4b:s20+s21], $0x320, $0x38;
	[tilespmem:$0x19640] =	vst v63  }
0x49: {  	s20 =	simm.s32 @!p0 $0x3  }
0x4a: {  	_ =	swait.ge @!p0 [sflag:s20], $0x320  }
0x4b: {  	[sflag:s20] =	ssyncset.done @!p0 $0x0  }
0x4c: {  	s22 =	simm.s32 @!p0 $0x640;
	[sflag:s20] =	ssyncadd.s32 @!p0 $0xFFFFFCE0;
	s20 =	simm.s32 @!p0 $0x320  }
0x4d: {  	[tilespmem:s22], [sflag:$0x1] =	stream.indirect.gather @!p0 [hbm4b:s6+s20], $0x40, s21, s20, $0xb8;
	[tilespmem:$0x19640] =	vst v63  }
0x4e: {  	s20 =	simm.s32 $0x0  }
0x4f: {  	v0 =	vld [tilespmem:s20+$0xCE40]  }
0x50: {  	v1 =	vld [tilespmem:s20+$0xCE50]  }
0x51: {  	v2 =	vld [tilespmem:s20+$0xCE60]  }
0x52: {  	v3 =	vld [tilespmem:s20+$0xCE70]  }
0x53: {  	v4 =	vld [tilespmem:s20+$0xCE80]  }
0x54: {  	v5 =	vld [tilespmem:s20+$0xCE90];
	v0 =	vmul.f32 $8.000000000e+00, v0  }
0x55: {  	v6 =	vld [tilespmem:s20+$0xCEA0];
	v1 =	vmul.f32 $8.000000000e+00, v1  }
0x56: {  	v7 =	vld [tilespmem:s20+$0xCEB0];
	[tilespmem:s20+$0xCE40] =	vst v0;
	v0 =	vmul.f32 $8.000000000e+00, v2  }
0x57: {  	v8 =	vld [tilespmem:s20+$0xCEC0];
	[tilespmem:s20+$0xCE50] =	vst v1;
	v1 =	vmul.f32 $8.000000000e+00, v3  }
0x58: {  	v9 =	vld [tilespmem:s20+$0xCED0];
	[tilespmem:s20+$0xCE60] =	vst v0;
	v0 =	vmul.f32 $8.000000000e+00, v4  }
0x59: {  	v2 =	vmul.f32 $8.000000000e+00, v5;
	[tilespmem:s20+$0xCE70] =	vst v1;
	v1 =	vld [tilespmem:s20+$0xCEE0]  }
0x5a: {  	v3 =	vmul.f32 $8.000000000e+00, v6;
	[tilespmem:s20+$0xCE80] =	vst v0;
	v0 =	vld [tilespmem:s20+$0xCEF0]  }
0x5b: {  	[tilespmem:s20+$0xCE90] =	vst v2;
	v2 =	vld [tilespmem:s20+$0xCF00];
	v4 =	vmul.f32 $8.000000000e+00, v7  }
0x5c: {  	v6 =	vmul.f32 $8.000000000e+00, v8;
	[tilespmem:s20+$0xCEA0] =	vst v3;
	v3 =	vld [tilespmem:s20+$0xCF10]  }
0x5d: {  	s21 =	simm.s32 $0x400;
	v5 =	vmul.f32 $8.000000000e+00, v9;
	[tilespmem:s20+$0xCEB0] =	vst v4;
	v4 =	vld [tilespmem:s20+$0xCF20]  }
.LBB2_5:
0x5e: {  	s22 =	sshra.s32 s21, $0x2;
	p0 =	sne.s32 s21, $0x31C00;
	[tilespmem:s20+$0xCEC0] =	vst v6;
	v1 =	vmul.f32 $8.000000000e+00, v1;
	v6 =	vld [tilespmem:s20+$0xCF30]  }
0x5f: {  	v7 =	vld [tilespmem:s22+$0xCE40];
	[tilespmem:s20+$0xCED0] =	vst v5;
	v0 =	vmul.f32 $8.000000000e+00, v0  }
0x60: {  	v5 =	vld [tilespmem:s22+$0xCE50];
	[tilespmem:s20+$0xCEE0] =	vst v1;
	v1 =	vmul.f32 $8.000000000e+00, v2  }
0x61: {  	v2 =	vld [tilespmem:s22+$0xCE60];
	[tilespmem:s20+$0xCEF0] =	vst v0;
	v0 =	vmul.f32 $8.000000000e+00, v3  }
0x62: {  	v3 =	vld [tilespmem:s22+$0xCE70];
	[tilespmem:s20+$0xCF00] =	vst v1;
	v1 =	vmul.f32 $8.000000000e+00, v4  }
0x63: {  	v4 =	vld [tilespmem:s22+$0xCE80];
	[tilespmem:s20+$0xCF10] =	vst v0;
	v0 =	vmul.f32 $8.000000000e+00, v6  }
0x64: {  	v6 =	vmul.f32 $8.000000000e+00, v7;
	v7 =	vld [tilespmem:s22+$0xCE90];
	[tilespmem:s20+$0xCF20] =	vst v1  }
0x65: {  	v1 =	vmul.f32 $8.000000000e+00, v5;
	v5 =	vld [tilespmem:s22+$0xCEA0];
	[tilespmem:s20+$0xCF30] =	vst v0;
	s20 =	smov.u32 s22  }
0x66: {  	[tilespmem:s20+$0xCE40] =	vst v6;
	v0 =	vmul.f32 $8.000000000e+00, v2;
	v2 =	vld [tilespmem:s20+$0xCEB0]  }
0x67: {  	[tilespmem:s20+$0xCE50] =	vst v1;
	v1 =	vmul.f32 $8.000000000e+00, v3;
	v3 =	vld [tilespmem:s20+$0xCEC0]  }
0x68: {  	[tilespmem:s20+$0xCE60] =	vst v0;
	v0 =	vmul.f32 $8.000000000e+00, v4;
	v4 =	vld [tilespmem:s20+$0xCED0]  }
.Ltmp1:
0x69: {  	[tilespmem:s20+$0xCE70] =	vst v1;
	v6 =	vmul.f32 $8.000000000e+00, v7;
	v1 =	vld [tilespmem:s20+$0xCEE0];
	(pc) =	sbr.rel @p0 .LBB2_5-.Ltmp1, $4  }
0x6a: {  	[tilespmem:s20+$0xCE80] =	vst v0;
	v5 =	vmul.f32 $8.000000000e+00, v5;
	v0 =	vld [tilespmem:s20+$0xCEF0]  }
0x6b: {  	[tilespmem:s20+$0xCE90] =	vst v6;
	v7 =	vmul.f32 $8.000000000e+00, v2;
	v2 =	vld [tilespmem:s20+$0xCF00]  }
0x6c: {  	[tilespmem:s20+$0xCEA0] =	vst v5;
	v6 =	vmul.f32 $8.000000000e+00, v3;
	v3 =	vld [tilespmem:s20+$0xCF10]  }
0x6d: {  	s21 =	sadd.s32 $0x400, s21;
	[tilespmem:s20+$0xCEB0] =	vst v7;
	v5 =	vmul.f32 $8.000000000e+00, v4;
	v4 =	vld [tilespmem:s20+$0xCF20]  }
0x6e: {  	[tilespmem:s20+$0xCEC0] =	vst v6;
	v1 =	vmul.f32 $8.000000000e+00, v1;
	v59 =	vld [tilespmem:s20+$0xCF30]  }
0x6f: {  	[tilespmem:s20+$0xCED0] =	vst v5;
	v0 =	vmul.f32 $8.000000000e+00, v0  }
0x70: {  	[tilespmem:s20+$0xCEE0] =	vst v1;
	v60 =	vmul.f32 $8.000000000e+00, v2  }
0x71: {  	[tilespmem:s20+$0xCEF0] =	vst v0;
	v61 =	vmul.f32 $8.000000000e+00, v3  }
0x72: {  	[tilespmem:s20+$0xCF00] =	vst v60;
	v62 =	vmul.f32 $8.000000000e+00, v4  }
0x73: {  	s19 =	sshll.u32 s19, $0x3;
	s18 =	sadd.s32 $0x1, s18;
	[tilespmem:s20+$0xCF10] =	vst v61;
	v63 =	vmul.f32 $8.000000000e+00, v59  }
0x74: {  	s19 =	sand.u32 $0x1FFFFF00, s19;
	p0 =	sne.s32 s18, $0x10;
	[tilespmem:s20+$0xCF20] =	vst v62  }
.Ltmp2:
0x75: {  	s19 =	sadd.s32 s3, s19;
	[tilespmem:s20+$0xCF30] =	vst v63;
	(pc) =	sbr.rel @p0 .LBB2_2-.Ltmp2, $4  }
0x76: {  	[hbm4b:s19+s4] =	stream.linear.scatter [tilespmem:s15], [sflag:$0x3], $0xC800, $0x38;
	[tilespmem:$0x19640] =	vst v63  }
0x77: {  	_ =	swait.ge [sflag:s11], $0xC800  }
0x78: {  	[sflag:s11] =	ssyncset.done $0x0  }
0x79: {  	[sflag:s11] =	ssyncadd.s32 $0xFFFF3800  }
0x7a: {  	s17 =	sadd.s32 $0x1, s17  }
0x7b: {  	p0 =	sne.s32 s17, s10  }
.Ltmp3:
0x7c: {  	_ = 	snop;
	(pc) =	sbr.rel @p0 .LBB2_1-.Ltmp3, $1  }
0x7d: {  	_ =	sdelay $0x3  }
0x7e: {  	_ =	sfence.sel $0x180000  }
0x7f: {  	[bflag:$0x0] =	sbarrier.arrive $0xFFFF  }
0x80: {  	p0 =	sne.s32 s0, $0x0;
	_ =	strace $0x90000047  }
0x81: {  	s0 =	sadd.s32 @!p0 $0x100000, s2;
	[bflag:$0x2] =	sbarrier.arrive $0xFFFF  }
0x82: {  	[sflag:s0] =	ssyncadd.tile.s32 @!p0 $0x1;
	_ =	shalt  }
.Lfunc_end2:
_tile_overlayer_lowered:
.L_overlay_start_2:
0x83: {  	(tag) =	ssettag $0x2  }
0x84: {  	s0 =	rddreg [dreg:$0x0];
	s2 =	stileid.u32  }
0x85: {  	s1 =	rddreg [dreg:$0x1];
	p0 =	sne.s32 s2, $0x0  }
0x86: {  	s3 =	rddreg [dreg:$0x2];
	[bflag:$0x3] =	sbarrier.arrive $0xFFFF;
	s2 =	simm.s32 @!p0 $0x1C03  }
0x87: {  	[timem:s3], [sflag:s2] =	dma.local @!p0 [hbm:s0], s1  }
0x88: {  	s0 =	simm.s32 @!p0 $0x3  }
0x89: {  	_ =	swait.ge @!p0 [sflag:s0], s1  }
0x8a: {  	s1 =	ssub.s32 @!p0 $0x0, s1;
	[sflag:s0] =	ssyncset.done @!p0 $0x0  }
0x8b: {  	[sflag:s0] =	ssyncadd.s32 @!p0 s1  }
0x8c: {  	[bflag:$0x3] =	sbarrier.arrive $0xFFFF  }
0x8d: {  	_ =	shalt  }

// kernel: sparse-core-data-format-call.cloned.1.call-start
scs
called_computation_lowered:
.L_overlay_start_0:
0x0: {  	s2 =	sld [smem:$0x3FD9]  }
0x1: {  	s3 =	sld [smem:$0x3FFE];
	_ =	sdelay $0x1  }
0x2: {  	s1 =	srdreg.scid  }
0x3: {  	s0 =	sand.u32 $0x1, s1  }
0x4: {  	s18 =	sshll.u32 s0, $0xA;
	s2 =	sadd.s32 s3, s2  }
0x5: {  	s2 =	sadd.s32 s2, s18  }
0x6: {  	[smem:$0x3FC6] =	sst s2  }
0x7: {  	_ = 	snop  }
0x8: {  	s2 =	sld [smem:$0x3FD0];
	(tm) =	ssettm $0x1  }
0x9: {  	s19 =	sld [smem:$0x3FFB];
	_ =	sdelay $0x3  }
0xa: {  	_ =	strace s19  }
0xb: {  	s3 =	sld [smem:$0x3FFC];
	_ =	sdelay $0x3  }
0xc: {  	_ =	strace s3  }
0xd: {  	s3 =	sld [smem:$0x3FFD];
	_ =	sdelay $0x3  }
0xe: {  	_ =	strace s3  }
0xf: {  	_ =	strace $0x8FFFFFFF  }
0x10: {  	s20 =	sld [smem:$0x3FDB];
	_ =	sdelay $0x1  }
0x11: {  	s4 =	simm.s32 $_scs_section_size  }
0x12: {  	s5 =	simm.s32 $_size__tile_overlayer_lowered;
	s6 =	simm.s32 $_tile_overlayer_lowered  }
0x13: {  	s23 =	simm.s32 $0x1BFF;
	s22 =	sshll.u32 s6, $0x1;
	s3 =	sadd.s32 s4, s20  }
0x14: {  	s7 =	simm.s32 $0x0;
	s21 =	sshll.u32 s5, $0x1;
	s5 =	sadd.s32 s22, s3  }
0x15: {  	[timem:s7], [sflag:s23] =	dma.local [hbm:s5], s21  }
0x16: {  	_ =	swait.ge [sflag:s23], s21  }
0x17: {  	s4 =	ssub.s32 $0x0, s21;
	[sflag:s23] =	ssyncset.done $0x0  }
0x18: {  	[sflag:s23] =	ssyncadd.s32 s4;
	_ =	sdelay $0x1  }
0x19: {  	s24 =	simm.s32 $0x1B8B  }
0x1a: {  	_ =	swait.ge [sflag:s24], $0x1  }
0x1b: {  	[sflag:s24] =	ssyncset.done $0x0  }
0x1c: {  	s26 =	simm.s32 $0x1B8E;
	s25 =	sld [smem:$0x3FFE];
	[sflag:s24] =	ssyncadd.s32 $0xFFFFFFFF  }
0x1d: {  	s27 =	simm.s32 $execute0_lowered;
	[smem:$0x3FD2] =	sst s26  }
0x1e: {  	s5 =	sshll.u32 s27, $0x1;
	_ =	strace $0x80000049;
	[dreg:$0x1] =	wrdreg $0xFFFFFFFF  }
0x1f: {  	s28 =	simm.s32 $_size_execute0_lowered;
	s3 =	sadd.s32 s3, s5;
	[dreg:$0x0] =	wrdreg $0x0  }
0x20: {  	s5 =	sshll.u32 s28, $0x1;
	[dreg:$0x2] =	wrdreg s3  }
0x21: {  	[dreg:$0x3] =	wrdreg s5  }
0x22: {  	[dreg:$0x4] =	wrdreg $0xC0  }
0x23: {  	_ =	task [dreg:s7], $0x5FFFF  }
0x24: {  	[dreg:$0x1] =	wrdreg $0xFFFFFFFF  }
0x25: {  	[dreg:$0x0] =	wrdreg $0x60  }
0x26: {  	[dreg:$0x2] =	wrdreg s25  }
0x27: {  	[dreg:$0x3] =	wrdreg s2  }
0x28: {  	[dreg:$0x4] =	wrdreg $0x9  }
0x29: {  	_ =	task.clear_ibuf [dreg:s7], $0x5FFFF;
	_ =	strace $0x90000049  }
0x2a: {  	s29 =	simm.s32 $0x9;
	_ =	strace $0x8000004B  }
0x2b: {  	_ =	swait.ge [sflag:s29], $0x1  }
0x2c: {  	[sflag:s29] =	ssyncadd.s32 $0xFFFFFFFF  }
0x2d: {  	_ =	strace $0x9000004B  }
0x2e: {  	_ =	sfence  }
0x2f: {  	s30 =	sld [smem:$0x0];
	_ =	sdelay $0x2  }
0x30: {  	s31 =	sshll.u32 s1, $0xD;
	s1 =	sshrl.u32 s1, $0x2  }
0x31: {  	s3 =	sand.u32 $0x4000, s31;
	s1 =	sadd.s32 s1, s30  }
0x32: {  	s0 =	sor.u32 s3, s0;
	s1 =	sshll.u32 s1, $0x11  }
0x33: {  	s0 =	sor.u32 s1, s0  }
0x34: {  	s0 =	sadd.s32 $0x8F2B, s0  }
0x35: {  	[sflag:s0] =	ssyncadd.remote.s32 $0x1  }
0x36: {  	_ =	sfence.sel $0xFFFF  }
0x37: {  	[dreg:$0x0] =	wrdreg $0xFFFFFFFF;
	(pc) =	sbr.abs _section_cstart, $3  }
0x38: {  	[dreg:$0x1] =	wrdreg $0xFFFFFFFF  }
0x39: {  	_ =	task.clear_ibuf [dreg:s7], $0x2FFFF;
	_ =	strace $0x9FFFFFFF  }
0x3a: {  	(tm) =	ssettm $0x7FFFFFFF  }
0x3b: {  	_ =	shalt  }
tec
execute0_lowered:
.L_overlay_start_1:
0x0: {  	(tag) =	ssettag $0x1  }
0x1: {  	s0 =	srdreg.scid  }
0x2: {  	s1 =	sshll.u32 s0, $0x4  }
0x3: {  	s4 =	rddreg [dreg:$0x0];
	s0 =	stileid.u32;
	s1 =	sand.u32 $0x10, s1  }
0x4: {  	s2 =	rddreg [dreg:$0x1];
	s7 =	simm.s32 $0x1;
	s1 =	sor.u32 s0, s1  }
0x5: {  	s8 =	simm.s32 $0x2;
	s11 =	simm.s32 $0x0;
	s3 =	sshll.u32 s1, $0x7  }
0x6: {  	s10 =	simm.s32 $0x0;
	s4 =	sadd.s32 $0x800, s4;
	s6 =	ssub.s32 $0xC8000, s3  }
.Ltmp0:
0x7: {  	s1 =	rddreg [dreg:$0x2];
	s5 =	sand.u32 $0xF80, s6;
	(pc) =	sbr.rel .LBB1_1-.Ltmp0, $4  }
0x8: {  	_ =	strace $0x8000004A;
	s9 =	smov.u32 s3;
	p0 =	sne.s32 s5, $0x0  }
0x9: {  	s6 =	sshrl.u32 s6, $0xC;
	s5 =	simm.s32 $0x1;
	s7 =	simm.s32 @!p0 $0x0  }
0xa: {  	[sflag:s5] =	ssyncpa.u1 $0x0;
	p0 =	por $0x0, $0x0;
	s6 =	sadd.s32 s7, s6  }
0xb: {  	[sflag:s8] =	ssyncpa.u1 $0x0;
	s8 =	simm.s32 $0x640000;
	s7 =	sadd.s32 $0x1, s6  }
.LBB1_4:
0xc: {  	s14 =	sshll.u32 s11, $0x3  }
0xd: {  	s30 =	sand.u32 $0x7F, s11;
	s15 =	sand.u32 $0xFFFFFC00, s14  }
0xe: {  	s11 =	sor.u32 s30, s15  }
0xf: {  	s15 =	smulhi.u32 $0x51EB851F, s11  }
0x10: {  	s14 =	smulhi.u32 $0x51EB851F, s14  }
0x11: {  	s15 =	sshrl.u32 s15, $0x12  }
0x12: {  	s14 =	sshrl.u32 s14, $0x12;
	s15 =	smul.u32 $0xC8000, s15  }
0x13: {  	s14 =	sand.u32 $0x3F, s14  }
0x14: {  	s14 =	smul.u32 $0x19000, s14;
	s11 =	ssub.s32 s11, s15  }
0x15: {  	[tilespmem:s13+$0x810 ss:$0x81] =	vst.msk $0xffff, v2;
	s15 =	sand.u32 $0x7, s11  }
0x16: {  	[tilespmem:s13+$0x1020 ss:$0x81] =	vst.msk $0xffff, v0;
	s14 =	sadd.s32 s2, s14;
	s11 =	sshrl.u32 s11, $0x3;
	s15 =	sshll.u32 s15, $0x12  }
0x17: {  	[tilespmem:s13+$0x0 ss:$0x81] =	vst.msk $0xffff, v1;
	s11 =	sadd.s32 s11, s14;
	s31 =	sor.u32 $0x400, s15  }
0x18: {  	[hbm4b:s11+s31] =	stream.strided.scatter [tilespmem:s12], [sflag:$0x2], $0x2000, s8, s31, $0x20;
	[tilespmem:$0x8080] =	vst v63  }
.LBB1_5:
0x19: {  	s13 =	sadd.s32 $0x1000, s9  }
0x1a: {  	p2 =	sgt.s32 s13, $0xC7FFF  }
0x1b: {  	s13 =	smov.u32 @p2 s3;
	p2 =	sne.s32 s10, s7  }
.Ltmp1:
0x1c: {  	p1 =	slt.u32 s10, $0x2;
	(pc) =	sbr.rel @!p2 .LBB1_6-.Ltmp1, $4  }
0x1d: {  	s12 =	simm.s32 @!p1 $0x2  }
0x1e: {  	s14 =	sadd.s32 $0x1, s10;
	_ =	swait.ge @!p1 [sflag:s12], $0x2000  }
0x1f: {  	s11 =	smov.u32 s9;
	p0 =	por !p0, !p0;
	[sflag:s12] =	ssyncset.done @!p1 $0x0  }
0x20: {  	s10 =	smov.u32 s14;
	s9 =	smov.u32 s13;
	[sflag:s12] =	ssyncadd.s32 @!p1 $0xFFFFE000  }
.LBB1_1:
0x21: {  	p1 =	sge.u32 s10, s6  }
0x22: {  	s12 =	sand.u32 @!p1 $0x1FFFFFF, s9  }
0x23: {  	s13 =	smulhi.u32 @!p1 $0x147AE15, s12;
	_ =	sdelay $0x1  }
0x24: {  	s13 =	sshrl.u32 @!p1 s13, $0xC  }
0x25: {  	s13 =	smul.u32 @!p1 $0xC8000, s13;
	_ =	sdelay $0x1  }
0x26: {  	s31 =	sadd.s32 $0xFFFFFFFF, s10;
	s14 =	sxor.u32 @!p1 $0xFFFFFFFF, s10;
	s12 =	ssub.s32 @!p1 s12, s13  }
0x27: {  	s15 =	simm.s32 @!p1 $0x80;
	s14 =	sshll.u32 @!p1 s14, $0xD;
	s12 =	sshll.u32 @!p1 s12, $0x4  }
0x28: {  	s13 =	sand.u32 @!p1 $0x2000, s14;
	s14 =	simm.s32 @!p1 $0x40;
	s12 =	sadd.s32 @!p1 s4, s12  }
0x29: {  	[tilespmem:s13], [sflag:$0x1] =	stream.strided.gather @!p1 [hbm4b:s12+s14], $0x2000, s15, s14, $0x38;
	[tilespmem:$0x8080] =	vst v63  }
0x2a: {  	p1 =	sge.u32 s31, s6  }
.Ltmp2:
0x2b: {  	_ = 	snop;
	(pc) =	sbr.rel @p1 .LBB1_5-.Ltmp2, $1  }
0x2c: {  	_ =	sdelay $0x3  }
0x2d: {  	s12 =	simm.s32 $0x1  }
0x2e: {  	_ =	swait.ge [sflag:s5], $0x2000;
	s12 =	simm.s32 @!p0 $0x0  }
0x2f: {  	[sflag:s5] =	ssyncset.done $0x0;
	s13 =	sshll.u32 s12, $0xD  }
0x30: {  	[sflag:s5] =	ssyncadd.s32 $0xFFFFE000;
	s16 =	sor.u32 $0x20, s13  }
0x31: {  	s12 =	smul.u32 $0x8100, s12;
	v3 =	vld [tilespmem:s16+$0x10]  }
0x32: {  	s30 =	sand.u32 $0x1, s10;
	v2 =	vld [tilespmem:s16+$0xFFFFFFF0]  }
0x33: {  	s13 =	smul.u32 $0x8100, s30;
	s12 =	sshrl.u32 s12, $0x2;
	v0 =	vld [tilespmem:s16+$0x0]  }
0x34: {  	v1 =	vld [tilespmem:s16+$0xFFFFFFE0];
	s14 =	sor.u32 $0x4000, s12  }
0x35: {  	s31 =	sshrl.u32 s13, $0x2;
	s13 =	sadd.s32 $0x0, s14  }
0x36: {  	s15 =	simm.s32 $0x4;
	s16 =	sadd.s32 $0x40, s16;
	s12 =	sor.u32 $0x4000, s31;
	[tilespmem:s13+$0x1830 ss:$0x81] =	vst.msk $0xffff, v3  }
.LBB1_3:
0x37: {  	v3 =	vld [tilespmem:s16+$0x10];
	p1 =	sne.s32 s15, $0x1FC;
	[tilespmem:s13+$0x810 ss:$0x81] =	vst.msk $0xffff, v2;
	s17 =	smov.u32 s15;
	s15 =	sadd.s32 $0x4, s15  }
.Ltmp3:
0x38: {  	v2 =	vld [tilespmem:s16+$0xFFFFFFF0];
	[tilespmem:s13+$0x1020 ss:$0x81] =	vst.msk $0xffff, v0;
	(pc) =	sbr.rel @p1 .LBB1_3-.Ltmp3, $4  }
0x39: {  	v0 =	vld [tilespmem:s16+$0x0];
	[tilespmem:s13+$0x0 ss:$0x81] =	vst.msk $0xffff, v1  }
0x3a: {  	s13 =	sshra.s32 s17, $0x2;
	v1 =	vld [tilespmem:s16+$0xFFFFFFE0]  }
0x3b: {  	s13 =	sadd.s32 s13, s14  }
0x3c: {  	s16 =	sadd.s32 $0x40, s16;
	[tilespmem:s13+$0x1830 ss:$0x81] =	vst.msk $0xffff, v3  }
.Ltmp4:
0x3d: {  	_ = 	snop;
	(pc) =	sbr.rel .LBB1_4-.Ltmp4, $1  }
0x3e: {  	_ =	sdelay $0x3  }
.LBB1_6:
0x3f: {  	_ =	sfence.sel $0x180000  }
0x40: {  	s2 =	simm.s32 $0x1;
	[bflag:$0x0] =	sbarrier.arrive $0xFFFF  }
0x41: {  	s31 =	simm.s32 $0x2;
	[sflag:s2] =	ssyncpa.u1 $0x1  }
0x42: {  	[sflag:s31] =	ssyncpa.u1 $0x1  }
0x43: {  	p0 =	sne.s32 s0, $0x0;
	_ =	strace $0x9000004A  }
0x44: {  	s0 =	sadd.s32 @!p0 $0x100000, s1;
	[bflag:$0x2] =	sbarrier.arrive $0xFFFF  }
0x45: {  	[sflag:s0] =	ssyncadd.tile.s32 @!p0 $0x1;
	_ =	shalt  }
.Lfunc_end1:
_tile_overlayer_lowered:
.L_overlay_start_2:
0x46: {  	(tag) =	ssettag $0x2  }
0x47: {  	s0 =	rddreg [dreg:$0x0];
	s2 =	stileid.u32  }
0x48: {  	s1 =	rddreg [dreg:$0x1];
	p0 =	sne.s32 s2, $0x0  }
0x49: {  	s3 =	rddreg [dreg:$0x2];
	[bflag:$0x3] =	sbarrier.arrive $0xFFFF;
	s2 =	simm.s32 @!p0 $0x1C01  }
0x4a: {  	[timem:s3], [sflag:s2] =	dma.local @!p0 [hbm:s0], s1  }
0x4b: {  	s0 =	simm.s32 @!p0 $0x1  }
0x4c: {  	_ =	swait.ge @!p0 [sflag:s0], s1  }
0x4d: {  	s1 =	ssub.s32 @!p0 $0x0, s1;
	[sflag:s0] =	ssyncset.done @!p0 $0x0  }
0x4e: {  	[sflag:s0] =	ssyncadd.s32 @!p0 s1  }
0x4f: {  	[bflag:$0x3] =	sbarrier.arrive $0xFFFF  }
0x50: {  	_ =	shalt  }

</sc_bundles>
